<compile_context>
chip_gen: v7x
topology: tpu7x:2x2x1
jax: 0.10.2.dev20260603
libtpu: 0.0.44.dev20260713+nightly
codegen_flags: <defaults>
</compile_context>

<pallas_src>
import jax
import jax.numpy as jnp
from jax import lax
from jax.experimental import pallas as pl
from jax.experimental.pallas import tpu as pltpu
from jax.experimental.pallas import tpu_sc as plsc

_MAXLEN = 200
_EMBED = 64
_VOCAB = 100000
_BATCH = 4096
_LANES = 16
_PADDED = 128

_NC = 2
_NS = 16
_NW = _NC * _NS
_BPW = _BATCH // _NW
_ROUNDS = _BPW // 2
_J = _EMBED // _LANES


def _tec_body(x_hbm, tok_hbm, pos_hbm, out_hbm, pos_v, idx_v, rows_v, outs_v,
              g0, g1, o0, o1, i0, i1):
    c = lax.axis_index("c")
    s = lax.axis_index("s")
    wid = s * _NC + c
    gsems = (g0, g1)
    osems = (o0, o1)
    isems = (i0, i1)
    pltpu.sync_copy(pos_hbm, pos_v)
    elem_base = wid * _BPW

    def stage_idx(sem, j, b):
        pltpu.async_copy(x_hbm.at[pl.ds(b * _MAXLEN, _MAXLEN)],
                         idx_v.at[pl.ds(pl.multiple_of(j * _MAXLEN, 8),
                                        _MAXLEN)],
                         isems[sem])

    def fire(slot, j, b):
        i0 = pl.multiple_of(j * _MAXLEN, 8)
        pltpu.make_async_copy(x_hbm.at[pl.ds(b * _MAXLEN, _MAXLEN)],
                              idx_v.at[pl.ds(i0, _MAXLEN)],
                              isems[slot]).wait()
        pltpu.async_copy(tok_hbm.at[idx_v.at[pl.ds(i0, 128)]],
                         rows_v.at[slot, pl.ds(0, 128)], gsems[slot])
        pltpu.async_copy(tok_hbm.at[idx_v.at[pl.ds(i0 + 128, 72)]],
                         rows_v.at[slot, pl.ds(128, 72)], gsems[slot])

    def wait_gathers(slot):
        pltpu.make_async_copy(tok_hbm.at[pl.ds(0, _MAXLEN)],
                              rows_v.at[slot], gsems[slot]).wait()

    def drain_out(slot, b):
        pltpu.make_async_copy(outs_v.at[slot], out_hbm.at[b],
                              osems[slot]).wait()

    def add_positions(slot):
        @plsc.parallel_loop(0, _MAXLEN, unroll=4)
        def _(t):
            for jj in range(_J):
                p = pos_v[pl.ds(t * _EMBED + jj * _LANES, _LANES)]
                outs_v[slot, t, pl.ds(jj * _LANES, _LANES)] = (
                    rows_v[slot, t, pl.ds(jj * _LANES, _LANES)] + p
                )

    def proc(slot, b, drain_pred):
        wait_gathers(slot)

        @pl.when(drain_pred)
        def _():
            drain_out(slot, b - 2)

        add_positions(slot)
        pltpu.async_copy(outs_v.at[slot], out_hbm.at[b], osems[slot])

    def round_body(r, carry):
        b0 = elem_base + r * 2
        j0 = (r * 2) % 4
        fire(0, j0, b0)

        @pl.when(r < _ROUNDS - 1)
        def _():
            stage_idx(0, (j0 + 2) % 4, b0 + 2)

        @pl.when(r >= 1)
        def _():
            proc(1, b0 - 1, r >= 2)

        fire(1, j0 + 1, b0 + 1)

        @pl.when(r < _ROUNDS - 1)
        def _():
            stage_idx(1, (j0 + 3) % 4, b0 + 3)

        proc(0, b0, r >= 1)
        return carry

    stage_idx(0, 0, elem_base)
    stage_idx(1, 1, elem_base + 1)
    lax.fori_loop(0, _ROUNDS, round_body, 0)
    last = elem_base + _BPW - 1
    proc(1, last, True)
    drain_out(0, last - 1)
    drain_out(1, last)


def kernel(x, token_table, pos_table):
    x1d = x.reshape(-1).astype(jnp.int32)
    tok128 = jnp.pad(token_table, ((0, 0), (0, _PADDED - _EMBED)))
    pos1d = pos_table.reshape(-1)
    mesh = plsc.VectorSubcoreMesh(core_axis_name="c", subcore_axis_name="s")
    out = pl.kernel(
        _tec_body,
        out_type=jax.ShapeDtypeStruct((_BATCH, _MAXLEN, _EMBED), jnp.float32),
        mesh=mesh,
        compiler_params=pltpu.CompilerParams(use_tc_tiling_on_sc=True),
        scratch_types=[
            pltpu.VMEM((_MAXLEN * _EMBED,), jnp.float32),
            pltpu.VMEM((4 * _MAXLEN,), jnp.int32),
            pltpu.VMEM((2, _MAXLEN, _PADDED), jnp.float32),
            pltpu.VMEM((2, _MAXLEN, _EMBED), jnp.float32),
            pltpu.SemaphoreType.DMA,
            pltpu.SemaphoreType.DMA,
            pltpu.SemaphoreType.DMA,
            pltpu.SemaphoreType.DMA,
            pltpu.SemaphoreType.DMA,
            pltpu.SemaphoreType.DMA,
        ],
    )(x1d, tok128, pos1d)
    return out

# --- scband reference (transcript-rebuilt; emitter-appended) ---
"""Pipeline reference for scband-token-position-embedding-45947560132624 (READ-ONLY COPY).

The authoritative reference and input builder live on the scoring server;
editing this copy changes nothing except your own understanding.
"""

import jax, jax.numpy as jnp
import numpy as np

MAXLEN = 200
VOCAB = 100000
EMBED = 64
BATCH = 4096

def setup_inputs(seed: int = 0) -> dict:
    key = jax.random.key(seed)
    k1, k2, k3 = jax.random.split(key, 3)
    x = jax.random.randint(k1, (BATCH, MAXLEN), 0, VOCAB, dtype=jnp.int64 if jax.config.jax_enable_x64 else jnp.int32)
    token_table = jax.random.normal(k2, (VOCAB, EMBED), dtype=jnp.float32) * 0.05
    pos_table = jax.random.normal(k3, (MAXLEN, EMBED), dtype=jnp.float32) * 0.05
    return {"x": x, "token_table": token_table, "pos_table": pos_table}

def reference(x, token_table, pos_table):
    maxlen = x.shape[-1]
    positions = jnp.arange(0, maxlen)
    pos_emb = jnp.take(pos_table, positions, axis=0)  # [maxlen, embed]
    tok_emb = jnp.take(token_table, x, axis=0)        # [B, maxlen, embed]
    return tok_emb + pos_emb

if __name__ == "__main__":
    import jax
    _d = setup_inputs()
    print(jax.jit(kernel)(*tuple(_d.values())))

</pallas_src>

<mosaic_0001>
#map = affine_map<(d0, d1) -> (0)>
#map1 = affine_map<(d0, d1) -> (0, 0)>
#map2 = affine_map<(d0, d1) -> (0, 0, 0)>
module attributes {stable_mosaic.version = 14 : i64} {
  func.func @_tec_body(%arg0: i32, %arg1: i32, %arg2: memref<819200xi32, #tpu.memory_space<hbm>>, %arg3: memref<100000x128xf32, #tpu.memory_space<hbm>>, %arg4: memref<12800xf32, #tpu.memory_space<hbm>>, %arg5: memref<4096x200x64xf32, #tpu.memory_space<hbm>>, %arg6: memref<12800xf32, #tpu.memory_space<vmem>>, %arg7: memref<800xi32, #tpu.memory_space<vmem>>, %arg8: memref<2x200x128xf32, #tpu.memory_space<vmem>>, %arg9: memref<2x200x64xf32, #tpu.memory_space<vmem>>, %arg10: memref<!tpu.dma_semaphore, #tpu.memory_space<semaphore_mem>>, %arg11: memref<!tpu.dma_semaphore, #tpu.memory_space<semaphore_mem>>, %arg12: memref<!tpu.dma_semaphore, #tpu.memory_space<semaphore_mem>>, %arg13: memref<!tpu.dma_semaphore, #tpu.memory_space<semaphore_mem>>, %arg14: memref<!tpu.dma_semaphore, #tpu.memory_space<semaphore_mem>>, %arg15: memref<!tpu.dma_semaphore, #tpu.memory_space<semaphore_mem>>) attributes {dimension_semantics = [#tpu.dimension_semantics<core_parallel>, #tpu.dimension_semantics<subcore_parallel>], iteration_bounds = array<i64: 2, 16>, scalar_prefetch = 0 : i64, scratch_operands = 10 : i64, tpu.core_type = #tpu.core_type<sc_vector_subcore>, window_params = [{transform_indices = #map}, {transform_indices = #map1}, {transform_indices = #map}, {transform_indices = #map2}]} {
    %mul3A = arith.constant 2 : i32
    %mul3A_0 = arith.muli %arg1, %mul3A : i32
    %add3A = arith.addi %mul3A_0, %arg0 : i32
    "tpu.region"() ({
      %run_scoped3A = tpu.sem_alloc : memref<!tpu.dma_semaphore, #tpu.memory_space<semaphore_mem>>
      tpu.enqueue_dma source(%arg4 : memref<12800xf32, #tpu.memory_space<hbm>>) target(%arg6 : memref<12800xf32, #tpu.memory_space<vmem>>) target_semaphore(%run_scoped3A : memref<!tpu.dma_semaphore, #tpu.memory_space<semaphore_mem>>)
      tpu.wait_dma2 semaphore(%run_scoped3A : memref<!tpu.dma_semaphore, #tpu.memory_space<semaphore_mem>>) src(%arg4 : memref<12800xf32, #tpu.memory_space<hbm>>) dst(%arg6 : memref<12800xf32, #tpu.memory_space<vmem>>)
      tpu.yield
    }) : () -> ()
    %mul3A_1 = arith.constant 128 : i32
    %mul3A_2 = arith.muli %add3A, %mul3A_1 : i32
    %mul3A_3 = arith.constant 200 : i32
    %mul3A_4 = arith.muli %mul3A_2, %mul3A_3 : i32
    %multiple_of3A = arith.constant 0 : i32
    %multiple_of3A_5 = tpu.assume_multiple %multiple_of3A, 8 : i32
    %dma_start3A = tpu.memref_slice %arg7[%multiple_of3A_5] : memref<800xi32, #tpu.memory_space<vmem>> -> memref<200xi32, #tpu.memory_space<vmem>>
    %dma_start3A_6 = tpu.memref_slice %arg2[%mul3A_4] : memref<819200xi32, #tpu.memory_space<hbm>> -> memref<200xi32, #tpu.memory_space<hbm>>
    %dma_start3A_7 = tpu.memref_slice %arg7[%multiple_of3A_5] : memref<800xi32, #tpu.memory_space<vmem>> -> memref<200xi32, #tpu.memory_space<vmem>>
    %dma_start3A_8 = tpu.memref_slice %arg2[%mul3A_4] : memref<819200xi32, #tpu.memory_space<hbm>> -> memref<200xi32, #tpu.memory_space<hbm>>
    tpu.enqueue_dma source(%dma_start3A_8 : memref<200xi32, #tpu.memory_space<hbm>>) target(%dma_start3A_7 : memref<200xi32, #tpu.memory_space<vmem>>) target_semaphore(%arg14 : memref<!tpu.dma_semaphore, #tpu.memory_space<semaphore_mem>>)
    %add3A_9 = arith.constant 1 : i32
    %add3A_10 = arith.addi %mul3A_2, %add3A_9 : i32
    %mul3A_11 = arith.constant 200 : i32
    %mul3A_12 = arith.muli %add3A_10, %mul3A_11 : i32
    %multiple_of3A_13 = arith.constant 200 : i32
    %multiple_of3A_14 = tpu.assume_multiple %multiple_of3A_13, 8 : i32
    %dma_start3A_15 = tpu.memref_slice %arg7[%multiple_of3A_14] : memref<800xi32, #tpu.memory_space<vmem>> -> memref<200xi32, #tpu.memory_space<vmem>>
    %dma_start3A_16 = tpu.memref_slice %arg2[%mul3A_12] : memref<819200xi32, #tpu.memory_space<hbm>> -> memref<200xi32, #tpu.memory_space<hbm>>
    %dma_start3A_17 = tpu.memref_slice %arg7[%multiple_of3A_14] : memref<800xi32, #tpu.memory_space<vmem>> -> memref<200xi32, #tpu.memory_space<vmem>>
    %dma_start3A_18 = tpu.memref_slice %arg2[%mul3A_12] : memref<819200xi32, #tpu.memory_space<hbm>> -> memref<200xi32, #tpu.memory_space<hbm>>
    tpu.enqueue_dma source(%dma_start3A_18 : memref<200xi32, #tpu.memory_space<hbm>>) target(%dma_start3A_17 : memref<200xi32, #tpu.memory_space<vmem>>) target_semaphore(%arg15 : memref<!tpu.dma_semaphore, #tpu.memory_space<semaphore_mem>>)
    %scan3A = arith.constant 0 : i32
    %scan3A_19 = arith.constant 0 : i32
    %scan3A_20 = arith.constant 64 : i32
    %scan3A_21 = arith.addi %scan3A_19, %scan3A_20 : i32
    %scan3A_22 = arith.constant 1 : i32
    scf.for %scan3A_115 = %scan3A_19 to %scan3A_21 step %scan3A_22  : i32 {
      %mul3A_116 = arith.constant 2 : i32
      %mul3A_117 = arith.muli %scan3A_115, %mul3A_116 : i32
      %add3A_118 = arith.addi %mul3A_2, %mul3A_117 : i32
      %mul3A_119 = arith.constant 2 : i32
      %mul3A_120 = arith.muli %scan3A_115, %mul3A_119 : i32
      %jit3A = arith.constant 4 : i32
      %eq3A = arith.constant 0 : i32
      %eq3A_121 = arith.cmpi eq, %jit3A, %eq3A : i32
      %jit3A_122 = arith.constant 1 : i32
      %select_n3A = arith.select %eq3A_121, %jit3A_122, %jit3A : i32
      %rem3A = arith.remsi %mul3A_120, %select_n3A : i32
      %ne3A = arith.constant 0 : i32
      %ne3A_123 = arith.cmpi ne, %rem3A, %ne3A : i32
      %lt3A = arith.constant 0 : i32
      %lt3A_124 = arith.cmpi slt, %rem3A, %lt3A : i32
      %lt3A_125 = arith.constant 0 : i32
      %lt3A_126 = arith.cmpi slt, %select_n3A, %lt3A_125 : i32
      %ne3A_127 = arith.xori %lt3A_124, %lt3A_126 : i1
      %and3A = arith.andi %ne3A_127, %ne3A_123 : i1
      %add3A_128 = arith.addi %rem3A, %select_n3A : i32
      %select_n3A_129 = arith.select %and3A, %add3A_128, %rem3A : i32
      %mul3A_130 = arith.constant 200 : i32
      %mul3A_131 = arith.muli %select_n3A_129, %mul3A_130 : i32
      %multiple_of3A_132 = tpu.assume_multiple %mul3A_131, 8 : i32
      %mul3A_133 = arith.constant 200 : i32
      %mul3A_134 = arith.muli %add3A_118, %mul3A_133 : i32
      %dma_wait3A_135 = tpu.memref_slice %arg7[%multiple_of3A_132] : memref<800xi32, #tpu.memory_space<vmem>> -> memref<200xi32, #tpu.memory_space<vmem>>
      %dma_wait3A_136 = tpu.memref_slice %arg2[%mul3A_134] : memref<819200xi32, #tpu.memory_space<hbm>> -> memref<200xi32, #tpu.memory_space<hbm>>
      %dma_wait3A_137 = tpu.memref_slice %arg7[%multiple_of3A_132] : memref<800xi32, #tpu.memory_space<vmem>> -> memref<200xi32, #tpu.memory_space<vmem>>
      %dma_wait3A_138 = tpu.memref_slice %arg2[%mul3A_134] : memref<819200xi32, #tpu.memory_space<hbm>> -> memref<200xi32, #tpu.memory_space<hbm>>
      tpu.wait_dma2 semaphore(%arg14 : memref<!tpu.dma_semaphore, #tpu.memory_space<semaphore_mem>>) src(%dma_wait3A_138 : memref<200xi32, #tpu.memory_space<hbm>>) dst(%dma_wait3A_137 : memref<200xi32, #tpu.memory_space<vmem>>)
      %dma_start3A_139 = arith.constant 0 : i32
      %dma_start3A_140 = arith.constant 0 : i32
      %dma_start3A_141 = arith.constant 0 : i32
      %dma_start3A_142 = tpu.memref_slice %arg8[%dma_start3A_139, %dma_start3A_140, %dma_start3A_141] : memref<2x200x128xf32, #tpu.memory_space<vmem>> -> memref<1x128x128xf32, #tpu.memory_space<vmem>>
      %dma_start3A_143 = tpu.memref_squeeze %dma_start3A_142 : memref<1x128x128xf32, #tpu.memory_space<vmem>> -> memref<128x128xf32, #tpu.memory_space<vmem>>
      %dma_start3A_144 = tpu.memref_slice %arg7[%multiple_of3A_132] : memref<800xi32, #tpu.memory_space<vmem>> -> memref<128xi32, #tpu.memory_space<vmem>>
      %dma_start3A_145 = arith.constant 0 : i32
      %dma_start3A_146 = arith.constant 0 : i32
      %dma_start3A_147 = tpu.memref_slice %arg3[%dma_start3A_145, %dma_start3A_146] : memref<100000x128xf32, #tpu.memory_space<hbm>> -> memref<100000x128xf32, #tpu.memory_space<hbm>>
      tpu.enqueue_indirect_dma source(%dma_start3A_147 : memref<100000x128xf32, #tpu.memory_space<hbm>>) target(%dma_start3A_143 : memref<128x128xf32, #tpu.memory_space<vmem>>) offsets(%dma_start3A_144 : memref<128xi32, #tpu.memory_space<vmem>>) semaphore(%arg10 : memref<!tpu.dma_semaphore, #tpu.memory_space<semaphore_mem>>)
      %add3A_148 = arith.constant 128 : i32
      %add3A_149 = arith.addi %multiple_of3A_132, %add3A_148 : i32
      %dma_start3A_150 = arith.constant 0 : i32
      %dma_start3A_151 = arith.constant 128 : i32
      %dma_start3A_152 = arith.constant 0 : i32
      %dma_start3A_153 = tpu.memref_slice %arg8[%dma_start3A_150, %dma_start3A_151, %dma_start3A_152] : memref<2x200x128xf32, #tpu.memory_space<vmem>> -> memref<1x72x128xf32, #tpu.memory_space<vmem>>
      %dma_start3A_154 = tpu.memref_squeeze %dma_start3A_153 : memref<1x72x128xf32, #tpu.memory_space<vmem>> -> memref<72x128xf32, #tpu.memory_space<vmem>>
      %dma_start3A_155 = tpu.memref_slice %arg7[%add3A_149] : memref<800xi32, #tpu.memory_space<vmem>> -> memref<72xi32, #tpu.memory_space<vmem>>
      %dma_start3A_156 = arith.constant 0 : i32
      %dma_start3A_157 = arith.constant 0 : i32
      %dma_start3A_158 = tpu.memref_slice %arg3[%dma_start3A_156, %dma_start3A_157] : memref<100000x128xf32, #tpu.memory_space<hbm>> -> memref<100000x128xf32, #tpu.memory_space<hbm>>
      tpu.enqueue_indirect_dma source(%dma_start3A_158 : memref<100000x128xf32, #tpu.memory_space<hbm>>) target(%dma_start3A_154 : memref<72x128xf32, #tpu.memory_space<vmem>>) offsets(%dma_start3A_155 : memref<72xi32, #tpu.memory_space<vmem>>) semaphore(%arg10 : memref<!tpu.dma_semaphore, #tpu.memory_space<semaphore_mem>>)
      %lt3A_159 = arith.constant 63 : i32
      %lt3A_160 = arith.cmpi slt, %scan3A_115, %lt3A_159 : i32
      %convert_element_type3A = arith.extui %lt3A_160 : i1 to i32
      %cond3A = arith.constant 0 : i32
      %cond3A_161 = arith.cmpi ne, %convert_element_type3A, %cond3A : i32
      scf.if %cond3A_161 {
        %add3A_244 = arith.constant 2 : i32
        %add3A_245 = arith.addi %select_n3A_129, %add3A_244 : i32
        %jit3A_246 = arith.constant 4 : i32
        %eq3A_247 = arith.constant 0 : i32
        %eq3A_248 = arith.cmpi eq, %jit3A_246, %eq3A_247 : i32
        %jit3A_249 = arith.constant 1 : i32
        %select_n3A_250 = arith.select %eq3A_248, %jit3A_249, %jit3A_246 : i32
        %rem3A_251 = arith.remsi %add3A_245, %select_n3A_250 : i32
        %ne3A_252 = arith.constant 0 : i32
        %ne3A_253 = arith.cmpi ne, %rem3A_251, %ne3A_252 : i32
        %lt3A_254 = arith.constant 0 : i32
        %lt3A_255 = arith.cmpi slt, %rem3A_251, %lt3A_254 : i32
        %lt3A_256 = arith.constant 0 : i32
        %lt3A_257 = arith.cmpi slt, %select_n3A_250, %lt3A_256 : i32
        %ne3A_258 = arith.xori %lt3A_255, %lt3A_257 : i1
        %and3A_259 = arith.andi %ne3A_258, %ne3A_253 : i1
        %add3A_260 = arith.addi %rem3A_251, %select_n3A_250 : i32
        %select_n3A_261 = arith.select %and3A_259, %add3A_260, %rem3A_251 : i32
        %add3A_262 = arith.constant 2 : i32
        %add3A_263 = arith.addi %add3A_118, %add3A_262 : i32
        %mul3A_264 = arith.constant 200 : i32
        %mul3A_265 = arith.muli %add3A_263, %mul3A_264 : i32
        %mul3A_266 = arith.constant 200 : i32
        %mul3A_267 = arith.muli %select_n3A_261, %mul3A_266 : i32
        %multiple_of3A_268 = tpu.assume_multiple %mul3A_267, 8 : i32
        %dma_start3A_269 = tpu.memref_slice %arg7[%multiple_of3A_268] : memref<800xi32, #tpu.memory_space<vmem>> -> memref<200xi32, #tpu.memory_space<vmem>>
        %dma_start3A_270 = tpu.memref_slice %arg2[%mul3A_265] : memref<819200xi32, #tpu.memory_space<hbm>> -> memref<200xi32, #tpu.memory_space<hbm>>
        %dma_start3A_271 = tpu.memref_slice %arg7[%multiple_of3A_268] : memref<800xi32, #tpu.memory_space<vmem>> -> memref<200xi32, #tpu.memory_space<vmem>>
        %dma_start3A_272 = tpu.memref_slice %arg2[%mul3A_265] : memref<819200xi32, #tpu.memory_space<hbm>> -> memref<200xi32, #tpu.memory_space<hbm>>
        tpu.enqueue_dma source(%dma_start3A_272 : memref<200xi32, #tpu.memory_space<hbm>>) target(%dma_start3A_271 : memref<200xi32, #tpu.memory_space<vmem>>) target_semaphore(%arg14 : memref<!tpu.dma_semaphore, #tpu.memory_space<semaphore_mem>>)
      } else {
      }
      %ge3A = arith.constant 1 : i32
      %ge3A_162 = arith.cmpi sge, %scan3A_115, %ge3A : i32
      %convert_element_type3A_163 = arith.extui %ge3A_162 : i1 to i32
      %cond3A_164 = arith.constant 0 : i32
      %cond3A_165 = arith.cmpi ne, %convert_element_type3A_163, %cond3A_164 : i32
      scf.if %cond3A_165 {
        %sub3A_244 = arith.constant 1 : i32
        %sub3A_245 = arith.subi %add3A_118, %sub3A_244 : i32
        %ge3A_246 = arith.constant 2 : i32
        %ge3A_247 = arith.cmpi sge, %scan3A_115, %ge3A_246 : i32
        %dma_wait3A_248 = arith.constant 1 : i32
        %dma_wait3A_249 = arith.constant 0 : i32
        %dma_wait3A_250 = arith.constant 0 : i32
        %dma_wait3A_251 = tpu.memref_slice %arg8[%dma_wait3A_248, %dma_wait3A_249, %dma_wait3A_250] : memref<2x200x128xf32, #tpu.memory_space<vmem>> -> memref<1x200x128xf32, #tpu.memory_space<vmem>>
        %dma_wait3A_252 = tpu.memref_squeeze %dma_wait3A_251 : memref<1x200x128xf32, #tpu.memory_space<vmem>> -> memref<200x128xf32, #tpu.memory_space<vmem>>
        %dma_wait3A_253 = arith.constant 0 : i32
        %dma_wait3A_254 = arith.constant 0 : i32
        %dma_wait3A_255 = tpu.memref_slice %arg3[%dma_wait3A_253, %dma_wait3A_254] : memref<100000x128xf32, #tpu.memory_space<hbm>> -> memref<200x128xf32, #tpu.memory_space<hbm>>
        %dma_wait3A_256 = arith.constant 0 : i32
        %dma_wait3A_257 = arith.constant 0 : i32
        %dma_wait3A_258 = tpu.memref_slice %arg8[%dma_wait3A_248, %dma_wait3A_256, %dma_wait3A_257] : memref<2x200x128xf32, #tpu.memory_space<vmem>> -> memref<1x200x128xf32, #tpu.memory_space<vmem>>
        %dma_wait3A_259 = tpu.memref_squeeze %dma_wait3A_258 : memref<1x200x128xf32, #tpu.memory_space<vmem>> -> memref<200x128xf32, #tpu.memory_space<vmem>>
        %dma_wait3A_260 = arith.constant 0 : i32
        %dma_wait3A_261 = arith.constant 0 : i32
        %dma_wait3A_262 = tpu.memref_slice %arg3[%dma_wait3A_260, %dma_wait3A_261] : memref<100000x128xf32, #tpu.memory_space<hbm>> -> memref<200x128xf32, #tpu.memory_space<hbm>>
        tpu.wait_dma2 semaphore(%arg11 : memref<!tpu.dma_semaphore, #tpu.memory_space<semaphore_mem>>) src(%dma_wait3A_262 : memref<200x128xf32, #tpu.memory_space<hbm>>) dst(%dma_wait3A_259 : memref<200x128xf32, #tpu.memory_space<vmem>>)
        %convert_element_type3A_263 = arith.extui %ge3A_247 : i1 to i32
        %cond3A_264 = arith.constant 0 : i32
        %cond3A_265 = arith.cmpi ne, %convert_element_type3A_263, %cond3A_264 : i32
        scf.if %cond3A_265 {
          %sub3A_286 = arith.constant 2 : i32
          %sub3A_287 = arith.subi %sub3A_245, %sub3A_286 : i32
          %dma_wait3A_288 = arith.constant 1 : i32
          %dma_wait3A_289 = arith.constant 0 : i32
          %dma_wait3A_290 = arith.constant 0 : i32
          %dma_wait3A_291 = tpu.memref_slice %arg9[%dma_wait3A_288, %dma_wait3A_289, %dma_wait3A_290] : memref<2x200x64xf32, #tpu.memory_space<vmem>> -> memref<1x200x64xf32, #tpu.memory_space<vmem>>
          %dma_wait3A_292 = tpu.memref_squeeze %dma_wait3A_291 : memref<1x200x64xf32, #tpu.memory_space<vmem>> -> memref<200x64xf32, #tpu.memory_space<vmem>>
          %dma_wait3A_293 = arith.constant 0 : i32
          %dma_wait3A_294 = arith.constant 0 : i32
          %dma_wait3A_295 = tpu.memref_slice %arg5[%sub3A_287, %dma_wait3A_293, %dma_wait3A_294] : memref<4096x200x64xf32, #tpu.memory_space<hbm>> -> memref<1x200x64xf32, #tpu.memory_space<hbm>>
          %dma_wait3A_296 = tpu.memref_squeeze %dma_wait3A_295 : memref<1x200x64xf32, #tpu.memory_space<hbm>> -> memref<200x64xf32, #tpu.memory_space<hbm>>
          %dma_wait3A_297 = arith.constant 0 : i32
          %dma_wait3A_298 = arith.constant 0 : i32
          %dma_wait3A_299 = tpu.memref_slice %arg5[%sub3A_287, %dma_wait3A_297, %dma_wait3A_298] : memref<4096x200x64xf32, #tpu.memory_space<hbm>> -> memref<1x200x64xf32, #tpu.memory_space<hbm>>
          %dma_wait3A_300 = tpu.memref_squeeze %dma_wait3A_299 : memref<1x200x64xf32, #tpu.memory_space<hbm>> -> memref<200x64xf32, #tpu.memory_space<hbm>>
          %dma_wait3A_301 = arith.constant 0 : i32
          %dma_wait3A_302 = arith.constant 0 : i32
          %dma_wait3A_303 = tpu.memref_slice %arg9[%dma_wait3A_288, %dma_wait3A_301, %dma_wait3A_302] : memref<2x200x64xf32, #tpu.memory_space<vmem>> -> memref<1x200x64xf32, #tpu.memory_space<vmem>>
          %dma_wait3A_304 = tpu.memref_squeeze %dma_wait3A_303 : memref<1x200x64xf32, #tpu.memory_space<vmem>> -> memref<200x64xf32, #tpu.memory_space<vmem>>
          tpu.wait_dma2 semaphore(%arg13 : memref<!tpu.dma_semaphore, #tpu.memory_space<semaphore_mem>>) src(%dma_wait3A_304 : memref<200x64xf32, #tpu.memory_space<vmem>>) dst(%dma_wait3A_300 : memref<200x64xf32, #tpu.memory_space<hbm>>)
        } else {
        }
        %parallel_loop3A_266 = arith.constant 0 : i32
        %parallel_loop3A_267 = arith.constant 200 : i32
        %parallel_loop3A_268 = arith.constant 1 : i32
        scf.for %parallel_loop3A_286 = %parallel_loop3A_266 to %parallel_loop3A_267 step %parallel_loop3A_268  : i32 {
          %parallel_loop3A_287 = arith.constant 64 : i32
          %parallel_loop3A_288 = arith.muli %parallel_loop3A_286, %parallel_loop3A_287 : i32
          %parallel_loop3A_289 = arith.constant 0 : i32
          %parallel_loop3A_290 = arith.addi %parallel_loop3A_288, %parallel_loop3A_289 : i32
          %parallel_loop3A_291 = arith.index_cast %parallel_loop3A_290 : i32 to index
          %parallel_loop3A_292 = tpu.vector_load %arg6[%parallel_loop3A_291] {strides = array<i32>} : memref<12800xf32, #tpu.memory_space<vmem>>, vector<16xf32>,
          %parallel_loop3A_293 = vector.shape_cast %parallel_loop3A_292 : vector<16xf32> to vector<16xf32>
          %parallel_loop3A_294 = arith.constant 1 : i32
          %parallel_loop3A_295 = arith.index_cast %parallel_loop3A_294 : i32 to index
          %parallel_loop3A_296 = arith.index_cast %parallel_loop3A_286 : i32 to index
          %parallel_loop3A_297 = arith.constant 0 : index
          %parallel_loop3A_298 = tpu.vector_load %arg8[%parallel_loop3A_295, %parallel_loop3A_296, %parallel_loop3A_297] {strides = array<i32>} : memref<2x200x128xf32, #tpu.memory_space<vmem>>, vector<1x1x16xf32>,
          %parallel_loop3A_299 = vector.shape_cast %parallel_loop3A_298 : vector<1x1x16xf32> to vector<16xf32>
          %parallel_loop3A_300 = arith.addf %parallel_loop3A_299, %parallel_loop3A_293 : vector<16xf32>
          %parallel_loop3A_301 = arith.constant 1 : i32
          %parallel_loop3A_302 = arith.index_cast %parallel_loop3A_301 : i32 to index
          %parallel_loop3A_303 = arith.index_cast %parallel_loop3A_286 : i32 to index
          %parallel_loop3A_304 = arith.constant 0 : index
          %parallel_loop3A_305 = tpu.vector_load %arg9[%parallel_loop3A_302, %parallel_loop3A_303, %parallel_loop3A_304] {strides = array<i32>} : memref<2x200x64xf32, #tpu.memory_space<vmem>>, vector<1x1x16xf32>,
          %parallel_loop3A_306 = vector.shape_cast %parallel_loop3A_305 : vector<1x1x16xf32> to vector<16xf32>
          %parallel_loop3A_307 = vector.shape_cast %parallel_loop3A_300 : vector<16xf32> to vector<1x1x16xf32>
          tpu.vector_store %arg9[%parallel_loop3A_302, %parallel_loop3A_303, %parallel_loop3A_304], %parallel_loop3A_307 {strides = array<i32>} : memref<2x200x64xf32, #tpu.memory_space<vmem>>, vector<1x1x16xf32>,
          %parallel_loop3A_308 = arith.constant 64 : i32
          %parallel_loop3A_309 = arith.muli %parallel_loop3A_286, %parallel_loop3A_308 : i32
          %parallel_loop3A_310 = arith.constant 16 : i32
          %parallel_loop3A_311 = arith.addi %parallel_loop3A_309, %parallel_loop3A_310 : i32
          %parallel_loop3A_312 = arith.index_cast %parallel_loop3A_311 : i32 to index
          %parallel_loop3A_313 = tpu.vector_load %arg6[%parallel_loop3A_312] {strides = array<i32>} : memref<12800xf32, #tpu.memory_space<vmem>>, vector<16xf32>,
          %parallel_loop3A_314 = vector.shape_cast %parallel_loop3A_313 : vector<16xf32> to vector<16xf32>
          %parallel_loop3A_315 = arith.constant 1 : i32
          %parallel_loop3A_316 = arith.index_cast %parallel_loop3A_315 : i32 to index
          %parallel_loop3A_317 = arith.index_cast %parallel_loop3A_286 : i32 to index
          %parallel_loop3A_318 = arith.constant 16 : index
          %parallel_loop3A_319 = tpu.vector_load %arg8[%parallel_loop3A_316, %parallel_loop3A_317, %parallel_loop3A_318] {strides = array<i32>} : memref<2x200x128xf32, #tpu.memory_space<vmem>>, vector<1x1x16xf32>,
          %parallel_loop3A_320 = vector.shape_cast %parallel_loop3A_319 : vector<1x1x16xf32> to vector<16xf32>
          %parallel_loop3A_321 = arith.addf %parallel_loop3A_320, %parallel_loop3A_314 : vector<16xf32>
          %parallel_loop3A_322 = arith.constant 1 : i32
          %parallel_loop3A_323 = arith.index_cast %parallel_loop3A_322 : i32 to index
          %parallel_loop3A_324 = arith.index_cast %parallel_loop3A_286 : i32 to index
          %parallel_loop3A_325 = arith.constant 16 : index
          %parallel_loop3A_326 = tpu.vector_load %arg9[%parallel_loop3A_323, %parallel_loop3A_324, %parallel_loop3A_325] {strides = array<i32>} : memref<2x200x64xf32, #tpu.memory_space<vmem>>, vector<1x1x16xf32>,
          %parallel_loop3A_327 = vector.shape_cast %parallel_loop3A_326 : vector<1x1x16xf32> to vector<16xf32>
          %parallel_loop3A_328 = vector.shape_cast %parallel_loop3A_321 : vector<16xf32> to vector<1x1x16xf32>
          tpu.vector_store %arg9[%parallel_loop3A_323, %parallel_loop3A_324, %parallel_loop3A_325], %parallel_loop3A_328 {strides = array<i32>} : memref<2x200x64xf32, #tpu.memory_space<vmem>>, vector<1x1x16xf32>,
          %parallel_loop3A_329 = arith.constant 64 : i32
          %parallel_loop3A_330 = arith.muli %parallel_loop3A_286, %parallel_loop3A_329 : i32
          %parallel_loop3A_331 = arith.constant 32 : i32
          %parallel_loop3A_332 = arith.addi %parallel_loop3A_330, %parallel_loop3A_331 : i32
          %parallel_loop3A_333 = arith.index_cast %parallel_loop3A_332 : i32 to index
          %parallel_loop3A_334 = tpu.vector_load %arg6[%parallel_loop3A_333] {strides = array<i32>} : memref<12800xf32, #tpu.memory_space<vmem>>, vector<16xf32>,
          %parallel_loop3A_335 = vector.shape_cast %parallel_loop3A_334 : vector<16xf32> to vector<16xf32>
          %parallel_loop3A_336 = arith.constant 1 : i32
          %parallel_loop3A_337 = arith.index_cast %parallel_loop3A_336 : i32 to index
          %parallel_loop3A_338 = arith.index_cast %parallel_loop3A_286 : i32 to index
          %parallel_loop3A_339 = arith.constant 32 : index
          %parallel_loop3A_340 = tpu.vector_load %arg8[%parallel_loop3A_337, %parallel_loop3A_338, %parallel_loop3A_339] {strides = array<i32>} : memref<2x200x128xf32, #tpu.memory_space<vmem>>, vector<1x1x16xf32>,
          %parallel_loop3A_341 = vector.shape_cast %parallel_loop3A_340 : vector<1x1x16xf32> to vector<16xf32>
          %parallel_loop3A_342 = arith.addf %parallel_loop3A_341, %parallel_loop3A_335 : vector<16xf32>
          %parallel_loop3A_343 = arith.constant 1 : i32
          %parallel_loop3A_344 = arith.index_cast %parallel_loop3A_343 : i32 to index
          %parallel_loop3A_345 = arith.index_cast %parallel_loop3A_286 : i32 to index
          %parallel_loop3A_346 = arith.constant 32 : index
          %parallel_loop3A_347 = tpu.vector_load %arg9[%parallel_loop3A_344, %parallel_loop3A_345, %parallel_loop3A_346] {strides = array<i32>} : memref<2x200x64xf32, #tpu.memory_space<vmem>>, vector<1x1x16xf32>,
          %parallel_loop3A_348 = vector.shape_cast %parallel_loop3A_347 : vector<1x1x16xf32> to vector<16xf32>
          %parallel_loop3A_349 = vector.shape_cast %parallel_loop3A_342 : vector<16xf32> to vector<1x1x16xf32>
          tpu.vector_store %arg9[%parallel_loop3A_344, %parallel_loop3A_345, %parallel_loop3A_346], %parallel_loop3A_349 {strides = array<i32>} : memref<2x200x64xf32, #tpu.memory_space<vmem>>, vector<1x1x16xf32>,
          %parallel_loop3A_350 = arith.constant 64 : i32
          %parallel_loop3A_351 = arith.muli %parallel_loop3A_286, %parallel_loop3A_350 : i32
          %parallel_loop3A_352 = arith.constant 48 : i32
          %parallel_loop3A_353 = arith.addi %parallel_loop3A_351, %parallel_loop3A_352 : i32
          %parallel_loop3A_354 = arith.index_cast %parallel_loop3A_353 : i32 to index
          %parallel_loop3A_355 = tpu.vector_load %arg6[%parallel_loop3A_354] {strides = array<i32>} : memref<12800xf32, #tpu.memory_space<vmem>>, vector<16xf32>,
          %parallel_loop3A_356 = vector.shape_cast %parallel_loop3A_355 : vector<16xf32> to vector<16xf32>
          %parallel_loop3A_357 = arith.constant 1 : i32
          %parallel_loop3A_358 = arith.index_cast %parallel_loop3A_357 : i32 to index
          %parallel_loop3A_359 = arith.index_cast %parallel_loop3A_286 : i32 to index
          %parallel_loop3A_360 = arith.constant 48 : index
          %parallel_loop3A_361 = tpu.vector_load %arg8[%parallel_loop3A_358, %parallel_loop3A_359, %parallel_loop3A_360] {strides = array<i32>} : memref<2x200x128xf32, #tpu.memory_space<vmem>>, vector<1x1x16xf32>,
          %parallel_loop3A_362 = vector.shape_cast %parallel_loop3A_361 : vector<1x1x16xf32> to vector<16xf32>
          %parallel_loop3A_363 = arith.addf %parallel_loop3A_362, %parallel_loop3A_356 : vector<16xf32>
          %parallel_loop3A_364 = arith.constant 1 : i32
          %parallel_loop3A_365 = arith.index_cast %parallel_loop3A_364 : i32 to index
          %parallel_loop3A_366 = arith.index_cast %parallel_loop3A_286 : i32 to index
          %parallel_loop3A_367 = arith.constant 48 : index
          %parallel_loop3A_368 = tpu.vector_load %arg9[%parallel_loop3A_365, %parallel_loop3A_366, %parallel_loop3A_367] {strides = array<i32>} : memref<2x200x64xf32, #tpu.memory_space<vmem>>, vector<1x1x16xf32>,
          %parallel_loop3A_369 = vector.shape_cast %parallel_loop3A_368 : vector<1x1x16xf32> to vector<16xf32>
          %parallel_loop3A_370 = vector.shape_cast %parallel_loop3A_363 : vector<16xf32> to vector<1x1x16xf32>
          tpu.vector_store %arg9[%parallel_loop3A_365, %parallel_loop3A_366, %parallel_loop3A_367], %parallel_loop3A_370 {strides = array<i32>} : memref<2x200x64xf32, #tpu.memory_space<vmem>>, vector<1x1x16xf32>,
        } {sc.loop_unroll_factor = 4 : i64, sc.parallel_access}
        %dma_start3A_269 = arith.constant 1 : i32
        %dma_start3A_270 = arith.constant 0 : i32
        %dma_start3A_271 = arith.constant 0 : i32
        %dma_start3A_272 = tpu.memref_slice %arg9[%dma_start3A_269, %dma_start3A_270, %dma_start3A_271] : memref<2x200x64xf32, #tpu.memory_space<vmem>> -> memref<1x200x64xf32, #tpu.memory_space<vmem>>
        %dma_start3A_273 = tpu.memref_squeeze %dma_start3A_272 : memref<1x200x64xf32, #tpu.memory_space<vmem>> -> memref<200x64xf32, #tpu.memory_space<vmem>>
        %dma_start3A_274 = arith.constant 0 : i32
        %dma_start3A_275 = arith.constant 0 : i32
        %dma_start3A_276 = tpu.memref_slice %arg5[%sub3A_245, %dma_start3A_274, %dma_start3A_275] : memref<4096x200x64xf32, #tpu.memory_space<hbm>> -> memref<1x200x64xf32, #tpu.memory_space<hbm>>
        %dma_start3A_277 = tpu.memref_squeeze %dma_start3A_276 : memref<1x200x64xf32, #tpu.memory_space<hbm>> -> memref<200x64xf32, #tpu.memory_space<hbm>>
        %dma_start3A_278 = arith.constant 0 : i32
        %dma_start3A_279 = arith.constant 0 : i32
        %dma_start3A_280 = tpu.memref_slice %arg5[%sub3A_245, %dma_start3A_278, %dma_start3A_279] : memref<4096x200x64xf32, #tpu.memory_space<hbm>> -> memref<1x200x64xf32, #tpu.memory_space<hbm>>
        %dma_start3A_281 = tpu.memref_squeeze %dma_start3A_280 : memref<1x200x64xf32, #tpu.memory_space<hbm>> -> memref<200x64xf32, #tpu.memory_space<hbm>>
        %dma_start3A_282 = arith.constant 0 : i32
        %dma_start3A_283 = arith.constant 0 : i32
        %dma_start3A_284 = tpu.memref_slice %arg9[%dma_start3A_269, %dma_start3A_282, %dma_start3A_283] : memref<2x200x64xf32, #tpu.memory_space<vmem>> -> memref<1x200x64xf32, #tpu.memory_space<vmem>>
        %dma_start3A_285 = tpu.memref_squeeze %dma_start3A_284 : memref<1x200x64xf32, #tpu.memory_space<vmem>> -> memref<200x64xf32, #tpu.memory_space<vmem>>
        tpu.enqueue_dma source(%dma_start3A_285 : memref<200x64xf32, #tpu.memory_space<vmem>>) target(%dma_start3A_281 : memref<200x64xf32, #tpu.memory_space<hbm>>) target_semaphore(%arg13 : memref<!tpu.dma_semaphore, #tpu.memory_space<semaphore_mem>>)
      } else {
      }
      %add3A_166 = arith.constant 1 : i32
      %add3A_167 = arith.addi %select_n3A_129, %add3A_166 : i32
      %add3A_168 = arith.constant 1 : i32
      %add3A_169 = arith.addi %add3A_118, %add3A_168 : i32
      %mul3A_170 = arith.constant 200 : i32
      %mul3A_171 = arith.muli %add3A_167, %mul3A_170 : i32
      %multiple_of3A_172 = tpu.assume_multiple %mul3A_171, 8 : i32
      %mul3A_173 = arith.constant 200 : i32
      %mul3A_174 = arith.muli %add3A_169, %mul3A_173 : i32
      %dma_wait3A_175 = tpu.memref_slice %arg7[%multiple_of3A_172] : memref<800xi32, #tpu.memory_space<vmem>> -> memref<200xi32, #tpu.memory_space<vmem>>
      %dma_wait3A_176 = tpu.memref_slice %arg2[%mul3A_174] : memref<819200xi32, #tpu.memory_space<hbm>> -> memref<200xi32, #tpu.memory_space<hbm>>
      %dma_wait3A_177 = tpu.memref_slice %arg7[%multiple_of3A_172] : memref<800xi32, #tpu.memory_space<vmem>> -> memref<200xi32, #tpu.memory_space<vmem>>
      %dma_wait3A_178 = tpu.memref_slice %arg2[%mul3A_174] : memref<819200xi32, #tpu.memory_space<hbm>> -> memref<200xi32, #tpu.memory_space<hbm>>
      tpu.wait_dma2 semaphore(%arg15 : memref<!tpu.dma_semaphore, #tpu.memory_space<semaphore_mem>>) src(%dma_wait3A_178 : memref<200xi32, #tpu.memory_space<hbm>>) dst(%dma_wait3A_177 : memref<200xi32, #tpu.memory_space<vmem>>)
      %dma_start3A_179 = arith.constant 1 : i32
      %dma_start3A_180 = arith.constant 0 : i32
      %dma_start3A_181 = arith.constant 0 : i32
      %dma_start3A_182 = tpu.memref_slice %arg8[%dma_start3A_179, %dma_start3A_180, %dma_start3A_181] : memref<2x200x128xf32, #tpu.memory_space<vmem>> -> memref<1x128x128xf32, #tpu.memory_space<vmem>>
      %dma_start3A_183 = tpu.memref_squeeze %dma_start3A_182 : memref<1x128x128xf32, #tpu.memory_space<vmem>> -> memref<128x128xf32, #tpu.memory_space<vmem>>
      %dma_start3A_184 = tpu.memref_slice %arg7[%multiple_of3A_172] : memref<800xi32, #tpu.memory_space<vmem>> -> memref<128xi32, #tpu.memory_space<vmem>>
      %dma_start3A_185 = arith.constant 0 : i32
      %dma_start3A_186 = arith.constant 0 : i32
      %dma_start3A_187 = tpu.memref_slice %arg3[%dma_start3A_185, %dma_start3A_186] : memref<100000x128xf32, #tpu.memory_space<hbm>> -> memref<100000x128xf32, #tpu.memory_space<hbm>>
      tpu.enqueue_indirect_dma source(%dma_start3A_187 : memref<100000x128xf32, #tpu.memory_space<hbm>>) target(%dma_start3A_183 : memref<128x128xf32, #tpu.memory_space<vmem>>) offsets(%dma_start3A_184 : memref<128xi32, #tpu.memory_space<vmem>>) semaphore(%arg11 : memref<!tpu.dma_semaphore, #tpu.memory_space<semaphore_mem>>)
      %add3A_188 = arith.constant 128 : i32
      %add3A_189 = arith.addi %multiple_of3A_172, %add3A_188 : i32
      %dma_start3A_190 = arith.constant 1 : i32
      %dma_start3A_191 = arith.constant 128 : i32
      %dma_start3A_192 = arith.constant 0 : i32
      %dma_start3A_193 = tpu.memref_slice %arg8[%dma_start3A_190, %dma_start3A_191, %dma_start3A_192] : memref<2x200x128xf32, #tpu.memory_space<vmem>> -> memref<1x72x128xf32, #tpu.memory_space<vmem>>
      %dma_start3A_194 = tpu.memref_squeeze %dma_start3A_193 : memref<1x72x128xf32, #tpu.memory_space<vmem>> -> memref<72x128xf32, #tpu.memory_space<vmem>>
      %dma_start3A_195 = tpu.memref_slice %arg7[%add3A_189] : memref<800xi32, #tpu.memory_space<vmem>> -> memref<72xi32, #tpu.memory_space<vmem>>
      %dma_start3A_196 = arith.constant 0 : i32
      %dma_start3A_197 = arith.constant 0 : i32
      %dma_start3A_198 = tpu.memref_slice %arg3[%dma_start3A_196, %dma_start3A_197] : memref<100000x128xf32, #tpu.memory_space<hbm>> -> memref<100000x128xf32, #tpu.memory_space<hbm>>
      tpu.enqueue_indirect_dma source(%dma_start3A_198 : memref<100000x128xf32, #tpu.memory_space<hbm>>) target(%dma_start3A_194 : memref<72x128xf32, #tpu.memory_space<vmem>>) offsets(%dma_start3A_195 : memref<72xi32, #tpu.memory_space<vmem>>) semaphore(%arg11 : memref<!tpu.dma_semaphore, #tpu.memory_space<semaphore_mem>>)
      %lt3A_199 = arith.constant 63 : i32
      %lt3A_200 = arith.cmpi slt, %scan3A_115, %lt3A_199 : i32
      %convert_element_type3A_201 = arith.extui %lt3A_200 : i1 to i32
      %cond3A_202 = arith.constant 0 : i32
      %cond3A_203 = arith.cmpi ne, %convert_element_type3A_201, %cond3A_202 : i32
      scf.if %cond3A_203 {
        %add3A_244 = arith.constant 3 : i32
        %add3A_245 = arith.addi %select_n3A_129, %add3A_244 : i32
        %jit3A_246 = arith.constant 4 : i32
        %eq3A_247 = arith.constant 0 : i32
        %eq3A_248 = arith.cmpi eq, %jit3A_246, %eq3A_247 : i32
        %jit3A_249 = arith.constant 1 : i32
        %select_n3A_250 = arith.select %eq3A_248, %jit3A_249, %jit3A_246 : i32
        %rem3A_251 = arith.remsi %add3A_245, %select_n3A_250 : i32
        %ne3A_252 = arith.constant 0 : i32
        %ne3A_253 = arith.cmpi ne, %rem3A_251, %ne3A_252 : i32
        %lt3A_254 = arith.constant 0 : i32
        %lt3A_255 = arith.cmpi slt, %rem3A_251, %lt3A_254 : i32
        %lt3A_256 = arith.constant 0 : i32
        %lt3A_257 = arith.cmpi slt, %select_n3A_250, %lt3A_256 : i32
        %ne3A_258 = arith.xori %lt3A_255, %lt3A_257 : i1
        %and3A_259 = arith.andi %ne3A_258, %ne3A_253 : i1
        %add3A_260 = arith.addi %rem3A_251, %select_n3A_250 : i32
        %select_n3A_261 = arith.select %and3A_259, %add3A_260, %rem3A_251 : i32
        %add3A_262 = arith.constant 3 : i32
        %add3A_263 = arith.addi %add3A_118, %add3A_262 : i32
        %mul3A_264 = arith.constant 200 : i32
        %mul3A_265 = arith.muli %add3A_263, %mul3A_264 : i32
        %mul3A_266 = arith.constant 200 : i32
        %mul3A_267 = arith.muli %select_n3A_261, %mul3A_266 : i32
        %multiple_of3A_268 = tpu.assume_multiple %mul3A_267, 8 : i32
        %dma_start3A_269 = tpu.memref_slice %arg7[%multiple_of3A_268] : memref<800xi32, #tpu.memory_space<vmem>> -> memref<200xi32, #tpu.memory_space<vmem>>
        %dma_start3A_270 = tpu.memref_slice %arg2[%mul3A_265] : memref<819200xi32, #tpu.memory_space<hbm>> -> memref<200xi32, #tpu.memory_space<hbm>>
        %dma_start3A_271 = tpu.memref_slice %arg7[%multiple_of3A_268] : memref<800xi32, #tpu.memory_space<vmem>> -> memref<200xi32, #tpu.memory_space<vmem>>
        %dma_start3A_272 = tpu.memref_slice %arg2[%mul3A_265] : memref<819200xi32, #tpu.memory_space<hbm>> -> memref<200xi32, #tpu.memory_space<hbm>>
        tpu.enqueue_dma source(%dma_start3A_272 : memref<200xi32, #tpu.memory_space<hbm>>) target(%dma_start3A_271 : memref<200xi32, #tpu.memory_space<vmem>>) target_semaphore(%arg15 : memref<!tpu.dma_semaphore, #tpu.memory_space<semaphore_mem>>)
      } else {
      }
      %ge3A_204 = arith.constant 1 : i32
      %ge3A_205 = arith.cmpi sge, %scan3A_115, %ge3A_204 : i32
      %dma_wait3A_206 = arith.constant 0 : i32
      %dma_wait3A_207 = arith.constant 0 : i32
      %dma_wait3A_208 = arith.constant 0 : i32
      %dma_wait3A_209 = tpu.memref_slice %arg8[%dma_wait3A_206, %dma_wait3A_207, %dma_wait3A_208] : memref<2x200x128xf32, #tpu.memory_space<vmem>> -> memref<1x200x128xf32, #tpu.memory_space<vmem>>
      %dma_wait3A_210 = tpu.memref_squeeze %dma_wait3A_209 : memref<1x200x128xf32, #tpu.memory_space<vmem>> -> memref<200x128xf32, #tpu.memory_space<vmem>>
      %dma_wait3A_211 = arith.constant 0 : i32
      %dma_wait3A_212 = arith.constant 0 : i32
      %dma_wait3A_213 = tpu.memref_slice %arg3[%dma_wait3A_211, %dma_wait3A_212] : memref<100000x128xf32, #tpu.memory_space<hbm>> -> memref<200x128xf32, #tpu.memory_space<hbm>>
      %dma_wait3A_214 = arith.constant 0 : i32
      %dma_wait3A_215 = arith.constant 0 : i32
      %dma_wait3A_216 = tpu.memref_slice %arg8[%dma_wait3A_206, %dma_wait3A_214, %dma_wait3A_215] : memref<2x200x128xf32, #tpu.memory_space<vmem>> -> memref<1x200x128xf32, #tpu.memory_space<vmem>>
      %dma_wait3A_217 = tpu.memref_squeeze %dma_wait3A_216 : memref<1x200x128xf32, #tpu.memory_space<vmem>> -> memref<200x128xf32, #tpu.memory_space<vmem>>
      %dma_wait3A_218 = arith.constant 0 : i32
      %dma_wait3A_219 = arith.constant 0 : i32
      %dma_wait3A_220 = tpu.memref_slice %arg3[%dma_wait3A_218, %dma_wait3A_219] : memref<100000x128xf32, #tpu.memory_space<hbm>> -> memref<200x128xf32, #tpu.memory_space<hbm>>
      tpu.wait_dma2 semaphore(%arg10 : memref<!tpu.dma_semaphore, #tpu.memory_space<semaphore_mem>>) src(%dma_wait3A_220 : memref<200x128xf32, #tpu.memory_space<hbm>>) dst(%dma_wait3A_217 : memref<200x128xf32, #tpu.memory_space<vmem>>)
      %convert_element_type3A_221 = arith.extui %ge3A_205 : i1 to i32
      %cond3A_222 = arith.constant 0 : i32
      %cond3A_223 = arith.cmpi ne, %convert_element_type3A_221, %cond3A_222 : i32
      scf.if %cond3A_223 {
        %sub3A_244 = arith.constant 2 : i32
        %sub3A_245 = arith.subi %add3A_118, %sub3A_244 : i32
        %dma_wait3A_246 = arith.constant 0 : i32
        %dma_wait3A_247 = arith.constant 0 : i32
        %dma_wait3A_248 = arith.constant 0 : i32
        %dma_wait3A_249 = tpu.memref_slice %arg9[%dma_wait3A_246, %dma_wait3A_247, %dma_wait3A_248] : memref<2x200x64xf32, #tpu.memory_space<vmem>> -> memref<1x200x64xf32, #tpu.memory_space<vmem>>
        %dma_wait3A_250 = tpu.memref_squeeze %dma_wait3A_249 : memref<1x200x64xf32, #tpu.memory_space<vmem>> -> memref<200x64xf32, #tpu.memory_space<vmem>>
        %dma_wait3A_251 = arith.constant 0 : i32
        %dma_wait3A_252 = arith.constant 0 : i32
        %dma_wait3A_253 = tpu.memref_slice %arg5[%sub3A_245, %dma_wait3A_251, %dma_wait3A_252] : memref<4096x200x64xf32, #tpu.memory_space<hbm>> -> memref<1x200x64xf32, #tpu.memory_space<hbm>>
        %dma_wait3A_254 = tpu.memref_squeeze %dma_wait3A_253 : memref<1x200x64xf32, #tpu.memory_space<hbm>> -> memref<200x64xf32, #tpu.memory_space<hbm>>
        %dma_wait3A_255 = arith.constant 0 : i32
        %dma_wait3A_256 = arith.constant 0 : i32
        %dma_wait3A_257 = tpu.memref_slice %arg5[%sub3A_245, %dma_wait3A_255, %dma_wait3A_256] : memref<4096x200x64xf32, #tpu.memory_space<hbm>> -> memref<1x200x64xf32, #tpu.memory_space<hbm>>
        %dma_wait3A_258 = tpu.memref_squeeze %dma_wait3A_257 : memref<1x200x64xf32, #tpu.memory_space<hbm>> -> memref<200x64xf32, #tpu.memory_space<hbm>>
        %dma_wait3A_259 = arith.constant 0 : i32
        %dma_wait3A_260 = arith.constant 0 : i32
        %dma_wait3A_261 = tpu.memref_slice %arg9[%dma_wait3A_246, %dma_wait3A_259, %dma_wait3A_260] : memref<2x200x64xf32, #tpu.memory_space<vmem>> -> memref<1x200x64xf32, #tpu.memory_space<vmem>>
        %dma_wait3A_262 = tpu.memref_squeeze %dma_wait3A_261 : memref<1x200x64xf32, #tpu.memory_space<vmem>> -> memref<200x64xf32, #tpu.memory_space<vmem>>
        tpu.wait_dma2 semaphore(%arg12 : memref<!tpu.dma_semaphore, #tpu.memory_space<semaphore_mem>>) src(%dma_wait3A_262 : memref<200x64xf32, #tpu.memory_space<vmem>>) dst(%dma_wait3A_258 : memref<200x64xf32, #tpu.memory_space<hbm>>)
      } else {
      }
      %parallel_loop3A_224 = arith.constant 0 : i32
      %parallel_loop3A_225 = arith.constant 200 : i32
      %parallel_loop3A_226 = arith.constant 1 : i32
      scf.for %parallel_loop3A_244 = %parallel_loop3A_224 to %parallel_loop3A_225 step %parallel_loop3A_226  : i32 {
        %parallel_loop3A_245 = arith.constant 64 : i32
        %parallel_loop3A_246 = arith.muli %parallel_loop3A_244, %parallel_loop3A_245 : i32
        %parallel_loop3A_247 = arith.constant 0 : i32
        %parallel_loop3A_248 = arith.addi %parallel_loop3A_246, %parallel_loop3A_247 : i32
        %parallel_loop3A_249 = arith.index_cast %parallel_loop3A_248 : i32 to index
        %parallel_loop3A_250 = tpu.vector_load %arg6[%parallel_loop3A_249] {strides = array<i32>} : memref<12800xf32, #tpu.memory_space<vmem>>, vector<16xf32>,
        %parallel_loop3A_251 = vector.shape_cast %parallel_loop3A_250 : vector<16xf32> to vector<16xf32>
        %parallel_loop3A_252 = arith.constant 0 : i32
        %parallel_loop3A_253 = arith.index_cast %parallel_loop3A_252 : i32 to index
        %parallel_loop3A_254 = arith.index_cast %parallel_loop3A_244 : i32 to index
        %parallel_loop3A_255 = arith.constant 0 : index
        %parallel_loop3A_256 = tpu.vector_load %arg8[%parallel_loop3A_253, %parallel_loop3A_254, %parallel_loop3A_255] {strides = array<i32>} : memref<2x200x128xf32, #tpu.memory_space<vmem>>, vector<1x1x16xf32>,
        %parallel_loop3A_257 = vector.shape_cast %parallel_loop3A_256 : vector<1x1x16xf32> to vector<16xf32>
        %parallel_loop3A_258 = arith.addf %parallel_loop3A_257, %parallel_loop3A_251 : vector<16xf32>
        %parallel_loop3A_259 = arith.constant 0 : i32
        %parallel_loop3A_260 = arith.index_cast %parallel_loop3A_259 : i32 to index
        %parallel_loop3A_261 = arith.index_cast %parallel_loop3A_244 : i32 to index
        %parallel_loop3A_262 = arith.constant 0 : index
        %parallel_loop3A_263 = tpu.vector_load %arg9[%parallel_loop3A_260, %parallel_loop3A_261, %parallel_loop3A_262] {strides = array<i32>} : memref<2x200x64xf32, #tpu.memory_space<vmem>>, vector<1x1x16xf32>,
        %parallel_loop3A_264 = vector.shape_cast %parallel_loop3A_263 : vector<1x1x16xf32> to vector<16xf32>
        %parallel_loop3A_265 = vector.shape_cast %parallel_loop3A_258 : vector<16xf32> to vector<1x1x16xf32>
        tpu.vector_store %arg9[%parallel_loop3A_260, %parallel_loop3A_261, %parallel_loop3A_262], %parallel_loop3A_265 {strides = array<i32>} : memref<2x200x64xf32, #tpu.memory_space<vmem>>, vector<1x1x16xf32>,
        %parallel_loop3A_266 = arith.constant 64 : i32
        %parallel_loop3A_267 = arith.muli %parallel_loop3A_244, %parallel_loop3A_266 : i32
        %parallel_loop3A_268 = arith.constant 16 : i32
        %parallel_loop3A_269 = arith.addi %parallel_loop3A_267, %parallel_loop3A_268 : i32
        %parallel_loop3A_270 = arith.index_cast %parallel_loop3A_269 : i32 to index
        %parallel_loop3A_271 = tpu.vector_load %arg6[%parallel_loop3A_270] {strides = array<i32>} : memref<12800xf32, #tpu.memory_space<vmem>>, vector<16xf32>,
        %parallel_loop3A_272 = vector.shape_cast %parallel_loop3A_271 : vector<16xf32> to vector<16xf32>
        %parallel_loop3A_273 = arith.constant 0 : i32
        %parallel_loop3A_274 = arith.index_cast %parallel_loop3A_273 : i32 to index
        %parallel_loop3A_275 = arith.index_cast %parallel_loop3A_244 : i32 to index
        %parallel_loop3A_276 = arith.constant 16 : index
        %parallel_loop3A_277 = tpu.vector_load %arg8[%parallel_loop3A_274, %parallel_loop3A_275, %parallel_loop3A_276] {strides = array<i32>} : memref<2x200x128xf32, #tpu.memory_space<vmem>>, vector<1x1x16xf32>,
        %parallel_loop3A_278 = vector.shape_cast %parallel_loop3A_277 : vector<1x1x16xf32> to vector<16xf32>
        %parallel_loop3A_279 = arith.addf %parallel_loop3A_278, %parallel_loop3A_272 : vector<16xf32>
        %parallel_loop3A_280 = arith.constant 0 : i32
        %parallel_loop3A_281 = arith.index_cast %parallel_loop3A_280 : i32 to index
        %parallel_loop3A_282 = arith.index_cast %parallel_loop3A_244 : i32 to index
        %parallel_loop3A_283 = arith.constant 16 : index
        %parallel_loop3A_284 = tpu.vector_load %arg9[%parallel_loop3A_281, %parallel_loop3A_282, %parallel_loop3A_283] {strides = array<i32>} : memref<2x200x64xf32, #tpu.memory_space<vmem>>, vector<1x1x16xf32>,
        %parallel_loop3A_285 = vector.shape_cast %parallel_loop3A_284 : vector<1x1x16xf32> to vector<16xf32>
        %parallel_loop3A_286 = vector.shape_cast %parallel_loop3A_279 : vector<16xf32> to vector<1x1x16xf32>
        tpu.vector_store %arg9[%parallel_loop3A_281, %parallel_loop3A_282, %parallel_loop3A_283], %parallel_loop3A_286 {strides = array<i32>} : memref<2x200x64xf32, #tpu.memory_space<vmem>>, vector<1x1x16xf32>,
        %parallel_loop3A_287 = arith.constant 64 : i32
        %parallel_loop3A_288 = arith.muli %parallel_loop3A_244, %parallel_loop3A_287 : i32
        %parallel_loop3A_289 = arith.constant 32 : i32
        %parallel_loop3A_290 = arith.addi %parallel_loop3A_288, %parallel_loop3A_289 : i32
        %parallel_loop3A_291 = arith.index_cast %parallel_loop3A_290 : i32 to index
        %parallel_loop3A_292 = tpu.vector_load %arg6[%parallel_loop3A_291] {strides = array<i32>} : memref<12800xf32, #tpu.memory_space<vmem>>, vector<16xf32>,
        %parallel_loop3A_293 = vector.shape_cast %parallel_loop3A_292 : vector<16xf32> to vector<16xf32>
        %parallel_loop3A_294 = arith.constant 0 : i32
        %parallel_loop3A_295 = arith.index_cast %parallel_loop3A_294 : i32 to index
        %parallel_loop3A_296 = arith.index_cast %parallel_loop3A_244 : i32 to index
        %parallel_loop3A_297 = arith.constant 32 : index
        %parallel_loop3A_298 = tpu.vector_load %arg8[%parallel_loop3A_295, %parallel_loop3A_296, %parallel_loop3A_297] {strides = array<i32>} : memref<2x200x128xf32, #tpu.memory_space<vmem>>, vector<1x1x16xf32>,
        %parallel_loop3A_299 = vector.shape_cast %parallel_loop3A_298 : vector<1x1x16xf32> to vector<16xf32>
        %parallel_loop3A_300 = arith.addf %parallel_loop3A_299, %parallel_loop3A_293 : vector<16xf32>
        %parallel_loop3A_301 = arith.constant 0 : i32
        %parallel_loop3A_302 = arith.index_cast %parallel_loop3A_301 : i32 to index
        %parallel_loop3A_303 = arith.index_cast %parallel_loop3A_244 : i32 to index
        %parallel_loop3A_304 = arith.constant 32 : index
        %parallel_loop3A_305 = tpu.vector_load %arg9[%parallel_loop3A_302, %parallel_loop3A_303, %parallel_loop3A_304] {strides = array<i32>} : memref<2x200x64xf32, #tpu.memory_space<vmem>>, vector<1x1x16xf32>,
        %parallel_loop3A_306 = vector.shape_cast %parallel_loop3A_305 : vector<1x1x16xf32> to vector<16xf32>
        %parallel_loop3A_307 = vector.shape_cast %parallel_loop3A_300 : vector<16xf32> to vector<1x1x16xf32>
        tpu.vector_store %arg9[%parallel_loop3A_302, %parallel_loop3A_303, %parallel_loop3A_304], %parallel_loop3A_307 {strides = array<i32>} : memref<2x200x64xf32, #tpu.memory_space<vmem>>, vector<1x1x16xf32>,
        %parallel_loop3A_308 = arith.constant 64 : i32
        %parallel_loop3A_309 = arith.muli %parallel_loop3A_244, %parallel_loop3A_308 : i32
        %parallel_loop3A_310 = arith.constant 48 : i32
        %parallel_loop3A_311 = arith.addi %parallel_loop3A_309, %parallel_loop3A_310 : i32
        %parallel_loop3A_312 = arith.index_cast %parallel_loop3A_311 : i32 to index
        %parallel_loop3A_313 = tpu.vector_load %arg6[%parallel_loop3A_312] {strides = array<i32>} : memref<12800xf32, #tpu.memory_space<vmem>>, vector<16xf32>,
        %parallel_loop3A_314 = vector.shape_cast %parallel_loop3A_313 : vector<16xf32> to vector<16xf32>
        %parallel_loop3A_315 = arith.constant 0 : i32
        %parallel_loop3A_316 = arith.index_cast %parallel_loop3A_315 : i32 to index
        %parallel_loop3A_317 = arith.index_cast %parallel_loop3A_244 : i32 to index
        %parallel_loop3A_318 = arith.constant 48 : index
        %parallel_loop3A_319 = tpu.vector_load %arg8[%parallel_loop3A_316, %parallel_loop3A_317, %parallel_loop3A_318] {strides = array<i32>} : memref<2x200x128xf32, #tpu.memory_space<vmem>>, vector<1x1x16xf32>,
        %parallel_loop3A_320 = vector.shape_cast %parallel_loop3A_319 : vector<1x1x16xf32> to vector<16xf32>
        %parallel_loop3A_321 = arith.addf %parallel_loop3A_320, %parallel_loop3A_314 : vector<16xf32>
        %parallel_loop3A_322 = arith.constant 0 : i32
        %parallel_loop3A_323 = arith.index_cast %parallel_loop3A_322 : i32 to index
        %parallel_loop3A_324 = arith.index_cast %parallel_loop3A_244 : i32 to index
        %parallel_loop3A_325 = arith.constant 48 : index
        %parallel_loop3A_326 = tpu.vector_load %arg9[%parallel_loop3A_323, %parallel_loop3A_324, %parallel_loop3A_325] {strides = array<i32>} : memref<2x200x64xf32, #tpu.memory_space<vmem>>, vector<1x1x16xf32>,
        %parallel_loop3A_327 = vector.shape_cast %parallel_loop3A_326 : vector<1x1x16xf32> to vector<16xf32>
        %parallel_loop3A_328 = vector.shape_cast %parallel_loop3A_321 : vector<16xf32> to vector<1x1x16xf32>
        tpu.vector_store %arg9[%parallel_loop3A_323, %parallel_loop3A_324, %parallel_loop3A_325], %parallel_loop3A_328 {strides = array<i32>} : memref<2x200x64xf32, #tpu.memory_space<vmem>>, vector<1x1x16xf32>,
      } {sc.loop_unroll_factor = 4 : i64, sc.parallel_access}
      %dma_start3A_227 = arith.constant 0 : i32
      %dma_start3A_228 = arith.constant 0 : i32
      %dma_start3A_229 = arith.constant 0 : i32
      %dma_start3A_230 = tpu.memref_slice %arg9[%dma_start3A_227, %dma_start3A_228, %dma_start3A_229] : memref<2x200x64xf32, #tpu.memory_space<vmem>> -> memref<1x200x64xf32, #tpu.memory_space<vmem>>
      %dma_start3A_231 = tpu.memref_squeeze %dma_start3A_230 : memref<1x200x64xf32, #tpu.memory_space<vmem>> -> memref<200x64xf32, #tpu.memory_space<vmem>>
      %dma_start3A_232 = arith.constant 0 : i32
      %dma_start3A_233 = arith.constant 0 : i32
      %dma_start3A_234 = tpu.memref_slice %arg5[%add3A_118, %dma_start3A_232, %dma_start3A_233] : memref<4096x200x64xf32, #tpu.memory_space<hbm>> -> memref<1x200x64xf32, #tpu.memory_space<hbm>>
      %dma_start3A_235 = tpu.memref_squeeze %dma_start3A_234 : memref<1x200x64xf32, #tpu.memory_space<hbm>> -> memref<200x64xf32, #tpu.memory_space<hbm>>
      %dma_start3A_236 = arith.constant 0 : i32
      %dma_start3A_237 = arith.constant 0 : i32
      %dma_start3A_238 = tpu.memref_slice %arg5[%add3A_118, %dma_start3A_236, %dma_start3A_237] : memref<4096x200x64xf32, #tpu.memory_space<hbm>> -> memref<1x200x64xf32, #tpu.memory_space<hbm>>
      %dma_start3A_239 = tpu.memref_squeeze %dma_start3A_238 : memref<1x200x64xf32, #tpu.memory_space<hbm>> -> memref<200x64xf32, #tpu.memory_space<hbm>>
      %dma_start3A_240 = arith.constant 0 : i32
      %dma_start3A_241 = arith.constant 0 : i32
      %dma_start3A_242 = tpu.memref_slice %arg9[%dma_start3A_227, %dma_start3A_240, %dma_start3A_241] : memref<2x200x64xf32, #tpu.memory_space<vmem>> -> memref<1x200x64xf32, #tpu.memory_space<vmem>>
      %dma_start3A_243 = tpu.memref_squeeze %dma_start3A_242 : memref<1x200x64xf32, #tpu.memory_space<vmem>> -> memref<200x64xf32, #tpu.memory_space<vmem>>
      tpu.enqueue_dma source(%dma_start3A_243 : memref<200x64xf32, #tpu.memory_space<vmem>>) target(%dma_start3A_239 : memref<200x64xf32, #tpu.memory_space<hbm>>) target_semaphore(%arg12 : memref<!tpu.dma_semaphore, #tpu.memory_space<semaphore_mem>>)
    }
    %scan3A_23 = arith.constant 64 : i32
    %add3A_24 = arith.constant 128 : i32
    %add3A_25 = arith.addi %mul3A_2, %add3A_24 : i32
    %sub3A = arith.constant 1 : i32
    %sub3A_26 = arith.subi %add3A_25, %sub3A : i32
    %dma_wait3A = arith.constant 1 : i32
    %dma_wait3A_27 = arith.constant 0 : i32
    %dma_wait3A_28 = arith.constant 0 : i32
    %dma_wait3A_29 = tpu.memref_slice %arg8[%dma_wait3A, %dma_wait3A_27, %dma_wait3A_28] : memref<2x200x128xf32, #tpu.memory_space<vmem>> -> memref<1x200x128xf32, #tpu.memory_space<vmem>>
    %dma_wait3A_30 = tpu.memref_squeeze %dma_wait3A_29 : memref<1x200x128xf32, #tpu.memory_space<vmem>> -> memref<200x128xf32, #tpu.memory_space<vmem>>
    %dma_wait3A_31 = arith.constant 0 : i32
    %dma_wait3A_32 = arith.constant 0 : i32
    %dma_wait3A_33 = tpu.memref_slice %arg3[%dma_wait3A_31, %dma_wait3A_32] : memref<100000x128xf32, #tpu.memory_space<hbm>> -> memref<200x128xf32, #tpu.memory_space<hbm>>
    %dma_wait3A_34 = arith.constant 0 : i32
    %dma_wait3A_35 = arith.constant 0 : i32
    %dma_wait3A_36 = tpu.memref_slice %arg8[%dma_wait3A, %dma_wait3A_34, %dma_wait3A_35] : memref<2x200x128xf32, #tpu.memory_space<vmem>> -> memref<1x200x128xf32, #tpu.memory_space<vmem>>
    %dma_wait3A_37 = tpu.memref_squeeze %dma_wait3A_36 : memref<1x200x128xf32, #tpu.memory_space<vmem>> -> memref<200x128xf32, #tpu.memory_space<vmem>>
    %dma_wait3A_38 = arith.constant 0 : i32
    %dma_wait3A_39 = arith.constant 0 : i32
    %dma_wait3A_40 = tpu.memref_slice %arg3[%dma_wait3A_38, %dma_wait3A_39] : memref<100000x128xf32, #tpu.memory_space<hbm>> -> memref<200x128xf32, #tpu.memory_space<hbm>>
    tpu.wait_dma2 semaphore(%arg11 : memref<!tpu.dma_semaphore, #tpu.memory_space<semaphore_mem>>) src(%dma_wait3A_40 : memref<200x128xf32, #tpu.memory_space<hbm>>) dst(%dma_wait3A_37 : memref<200x128xf32, #tpu.memory_space<vmem>>)
    %sub3A_41 = arith.constant 2 : i32
    %sub3A_42 = arith.subi %sub3A_26, %sub3A_41 : i32
    %dma_wait3A_43 = arith.constant 1 : i32
    %dma_wait3A_44 = arith.constant 0 : i32
    %dma_wait3A_45 = arith.constant 0 : i32
    %dma_wait3A_46 = tpu.memref_slice %arg9[%dma_wait3A_43, %dma_wait3A_44, %dma_wait3A_45] : memref<2x200x64xf32, #tpu.memory_space<vmem>> -> memref<1x200x64xf32, #tpu.memory_space<vmem>>
    %dma_wait3A_47 = tpu.memref_squeeze %dma_wait3A_46 : memref<1x200x64xf32, #tpu.memory_space<vmem>> -> memref<200x64xf32, #tpu.memory_space<vmem>>
    %dma_wait3A_48 = arith.constant 0 : i32
    %dma_wait3A_49 = arith.constant 0 : i32
    %dma_wait3A_50 = tpu.memref_slice %arg5[%sub3A_42, %dma_wait3A_48, %dma_wait3A_49] : memref<4096x200x64xf32, #tpu.memory_space<hbm>> -> memref<1x200x64xf32, #tpu.memory_space<hbm>>
    %dma_wait3A_51 = tpu.memref_squeeze %dma_wait3A_50 : memref<1x200x64xf32, #tpu.memory_space<hbm>> -> memref<200x64xf32, #tpu.memory_space<hbm>>
    %dma_wait3A_52 = arith.constant 0 : i32
    %dma_wait3A_53 = arith.constant 0 : i32
    %dma_wait3A_54 = tpu.memref_slice %arg5[%sub3A_42, %dma_wait3A_52, %dma_wait3A_53] : memref<4096x200x64xf32, #tpu.memory_space<hbm>> -> memref<1x200x64xf32, #tpu.memory_space<hbm>>
    %dma_wait3A_55 = tpu.memref_squeeze %dma_wait3A_54 : memref<1x200x64xf32, #tpu.memory_space<hbm>> -> memref<200x64xf32, #tpu.memory_space<hbm>>
    %dma_wait3A_56 = arith.constant 0 : i32
    %dma_wait3A_57 = arith.constant 0 : i32
    %dma_wait3A_58 = tpu.memref_slice %arg9[%dma_wait3A_43, %dma_wait3A_56, %dma_wait3A_57] : memref<2x200x64xf32, #tpu.memory_space<vmem>> -> memref<1x200x64xf32, #tpu.memory_space<vmem>>
    %dma_wait3A_59 = tpu.memref_squeeze %dma_wait3A_58 : memref<1x200x64xf32, #tpu.memory_space<vmem>> -> memref<200x64xf32, #tpu.memory_space<vmem>>
    tpu.wait_dma2 semaphore(%arg13 : memref<!tpu.dma_semaphore, #tpu.memory_space<semaphore_mem>>) src(%dma_wait3A_59 : memref<200x64xf32, #tpu.memory_space<vmem>>) dst(%dma_wait3A_55 : memref<200x64xf32, #tpu.memory_space<hbm>>)
    %parallel_loop3A = arith.constant 0 : i32
    %parallel_loop3A_60 = arith.constant 200 : i32
    %parallel_loop3A_61 = arith.constant 1 : i32
    scf.for %parallel_loop3A_115 = %parallel_loop3A to %parallel_loop3A_60 step %parallel_loop3A_61  : i32 {
      %parallel_loop3A_116 = arith.constant 64 : i32
      %parallel_loop3A_117 = arith.muli %parallel_loop3A_115, %parallel_loop3A_116 : i32
      %parallel_loop3A_118 = arith.constant 0 : i32
      %parallel_loop3A_119 = arith.addi %parallel_loop3A_117, %parallel_loop3A_118 : i32
      %parallel_loop3A_120 = arith.index_cast %parallel_loop3A_119 : i32 to index
      %parallel_loop3A_121 = tpu.vector_load %arg6[%parallel_loop3A_120] {strides = array<i32>} : memref<12800xf32, #tpu.memory_space<vmem>>, vector<16xf32>,
      %parallel_loop3A_122 = vector.shape_cast %parallel_loop3A_121 : vector<16xf32> to vector<16xf32>
      %parallel_loop3A_123 = arith.constant 1 : i32
      %parallel_loop3A_124 = arith.index_cast %parallel_loop3A_123 : i32 to index
      %parallel_loop3A_125 = arith.index_cast %parallel_loop3A_115 : i32 to index
      %parallel_loop3A_126 = arith.constant 0 : index
      %parallel_loop3A_127 = tpu.vector_load %arg8[%parallel_loop3A_124, %parallel_loop3A_125, %parallel_loop3A_126] {strides = array<i32>} : memref<2x200x128xf32, #tpu.memory_space<vmem>>, vector<1x1x16xf32>,
      %parallel_loop3A_128 = vector.shape_cast %parallel_loop3A_127 : vector<1x1x16xf32> to vector<16xf32>
      %parallel_loop3A_129 = arith.addf %parallel_loop3A_128, %parallel_loop3A_122 : vector<16xf32>
      %parallel_loop3A_130 = arith.constant 1 : i32
      %parallel_loop3A_131 = arith.index_cast %parallel_loop3A_130 : i32 to index
      %parallel_loop3A_132 = arith.index_cast %parallel_loop3A_115 : i32 to index
      %parallel_loop3A_133 = arith.constant 0 : index
      %parallel_loop3A_134 = tpu.vector_load %arg9[%parallel_loop3A_131, %parallel_loop3A_132, %parallel_loop3A_133] {strides = array<i32>} : memref<2x200x64xf32, #tpu.memory_space<vmem>>, vector<1x1x16xf32>,
      %parallel_loop3A_135 = vector.shape_cast %parallel_loop3A_134 : vector<1x1x16xf32> to vector<16xf32>
      %parallel_loop3A_136 = vector.shape_cast %parallel_loop3A_129 : vector<16xf32> to vector<1x1x16xf32>
      tpu.vector_store %arg9[%parallel_loop3A_131, %parallel_loop3A_132, %parallel_loop3A_133], %parallel_loop3A_136 {strides = array<i32>} : memref<2x200x64xf32, #tpu.memory_space<vmem>>, vector<1x1x16xf32>,
      %parallel_loop3A_137 = arith.constant 64 : i32
      %parallel_loop3A_138 = arith.muli %parallel_loop3A_115, %parallel_loop3A_137 : i32
      %parallel_loop3A_139 = arith.constant 16 : i32
      %parallel_loop3A_140 = arith.addi %parallel_loop3A_138, %parallel_loop3A_139 : i32
      %parallel_loop3A_141 = arith.index_cast %parallel_loop3A_140 : i32 to index
      %parallel_loop3A_142 = tpu.vector_load %arg6[%parallel_loop3A_141] {strides = array<i32>} : memref<12800xf32, #tpu.memory_space<vmem>>, vector<16xf32>,
      %parallel_loop3A_143 = vector.shape_cast %parallel_loop3A_142 : vector<16xf32> to vector<16xf32>
      %parallel_loop3A_144 = arith.constant 1 : i32
      %parallel_loop3A_145 = arith.index_cast %parallel_loop3A_144 : i32 to index
      %parallel_loop3A_146 = arith.index_cast %parallel_loop3A_115 : i32 to index
      %parallel_loop3A_147 = arith.constant 16 : index
      %parallel_loop3A_148 = tpu.vector_load %arg8[%parallel_loop3A_145, %parallel_loop3A_146, %parallel_loop3A_147] {strides = array<i32>} : memref<2x200x128xf32, #tpu.memory_space<vmem>>, vector<1x1x16xf32>,
      %parallel_loop3A_149 = vector.shape_cast %parallel_loop3A_148 : vector<1x1x16xf32> to vector<16xf32>
      %parallel_loop3A_150 = arith.addf %parallel_loop3A_149, %parallel_loop3A_143 : vector<16xf32>
      %parallel_loop3A_151 = arith.constant 1 : i32
      %parallel_loop3A_152 = arith.index_cast %parallel_loop3A_151 : i32 to index
      %parallel_loop3A_153 = arith.index_cast %parallel_loop3A_115 : i32 to index
      %parallel_loop3A_154 = arith.constant 16 : index
      %parallel_loop3A_155 = tpu.vector_load %arg9[%parallel_loop3A_152, %parallel_loop3A_153, %parallel_loop3A_154] {strides = array<i32>} : memref<2x200x64xf32, #tpu.memory_space<vmem>>, vector<1x1x16xf32>,
      %parallel_loop3A_156 = vector.shape_cast %parallel_loop3A_155 : vector<1x1x16xf32> to vector<16xf32>
      %parallel_loop3A_157 = vector.shape_cast %parallel_loop3A_150 : vector<16xf32> to vector<1x1x16xf32>
      tpu.vector_store %arg9[%parallel_loop3A_152, %parallel_loop3A_153, %parallel_loop3A_154], %parallel_loop3A_157 {strides = array<i32>} : memref<2x200x64xf32, #tpu.memory_space<vmem>>, vector<1x1x16xf32>,
      %parallel_loop3A_158 = arith.constant 64 : i32
      %parallel_loop3A_159 = arith.muli %parallel_loop3A_115, %parallel_loop3A_158 : i32
      %parallel_loop3A_160 = arith.constant 32 : i32
      %parallel_loop3A_161 = arith.addi %parallel_loop3A_159, %parallel_loop3A_160 : i32
      %parallel_loop3A_162 = arith.index_cast %parallel_loop3A_161 : i32 to index
      %parallel_loop3A_163 = tpu.vector_load %arg6[%parallel_loop3A_162] {strides = array<i32>} : memref<12800xf32, #tpu.memory_space<vmem>>, vector<16xf32>,
      %parallel_loop3A_164 = vector.shape_cast %parallel_loop3A_163 : vector<16xf32> to vector<16xf32>
      %parallel_loop3A_165 = arith.constant 1 : i32
      %parallel_loop3A_166 = arith.index_cast %parallel_loop3A_165 : i32 to index
      %parallel_loop3A_167 = arith.index_cast %parallel_loop3A_115 : i32 to index
      %parallel_loop3A_168 = arith.constant 32 : index
      %parallel_loop3A_169 = tpu.vector_load %arg8[%parallel_loop3A_166, %parallel_loop3A_167, %parallel_loop3A_168] {strides = array<i32>} : memref<2x200x128xf32, #tpu.memory_space<vmem>>, vector<1x1x16xf32>,
      %parallel_loop3A_170 = vector.shape_cast %parallel_loop3A_169 : vector<1x1x16xf32> to vector<16xf32>
      %parallel_loop3A_171 = arith.addf %parallel_loop3A_170, %parallel_loop3A_164 : vector<16xf32>
      %parallel_loop3A_172 = arith.constant 1 : i32
      %parallel_loop3A_173 = arith.index_cast %parallel_loop3A_172 : i32 to index
      %parallel_loop3A_174 = arith.index_cast %parallel_loop3A_115 : i32 to index
      %parallel_loop3A_175 = arith.constant 32 : index
      %parallel_loop3A_176 = tpu.vector_load %arg9[%parallel_loop3A_173, %parallel_loop3A_174, %parallel_loop3A_175] {strides = array<i32>} : memref<2x200x64xf32, #tpu.memory_space<vmem>>, vector<1x1x16xf32>,
      %parallel_loop3A_177 = vector.shape_cast %parallel_loop3A_176 : vector<1x1x16xf32> to vector<16xf32>
      %parallel_loop3A_178 = vector.shape_cast %parallel_loop3A_171 : vector<16xf32> to vector<1x1x16xf32>
      tpu.vector_store %arg9[%parallel_loop3A_173, %parallel_loop3A_174, %parallel_loop3A_175], %parallel_loop3A_178 {strides = array<i32>} : memref<2x200x64xf32, #tpu.memory_space<vmem>>, vector<1x1x16xf32>,
      %parallel_loop3A_179 = arith.constant 64 : i32
      %parallel_loop3A_180 = arith.muli %parallel_loop3A_115, %parallel_loop3A_179 : i32
      %parallel_loop3A_181 = arith.constant 48 : i32
      %parallel_loop3A_182 = arith.addi %parallel_loop3A_180, %parallel_loop3A_181 : i32
      %parallel_loop3A_183 = arith.index_cast %parallel_loop3A_182 : i32 to index
      %parallel_loop3A_184 = tpu.vector_load %arg6[%parallel_loop3A_183] {strides = array<i32>} : memref<12800xf32, #tpu.memory_space<vmem>>, vector<16xf32>,
      %parallel_loop3A_185 = vector.shape_cast %parallel_loop3A_184 : vector<16xf32> to vector<16xf32>
      %parallel_loop3A_186 = arith.constant 1 : i32
      %parallel_loop3A_187 = arith.index_cast %parallel_loop3A_186 : i32 to index
      %parallel_loop3A_188 = arith.index_cast %parallel_loop3A_115 : i32 to index
      %parallel_loop3A_189 = arith.constant 48 : index
      %parallel_loop3A_190 = tpu.vector_load %arg8[%parallel_loop3A_187, %parallel_loop3A_188, %parallel_loop3A_189] {strides = array<i32>} : memref<2x200x128xf32, #tpu.memory_space<vmem>>, vector<1x1x16xf32>,
      %parallel_loop3A_191 = vector.shape_cast %parallel_loop3A_190 : vector<1x1x16xf32> to vector<16xf32>
      %parallel_loop3A_192 = arith.addf %parallel_loop3A_191, %parallel_loop3A_185 : vector<16xf32>
      %parallel_loop3A_193 = arith.constant 1 : i32
      %parallel_loop3A_194 = arith.index_cast %parallel_loop3A_193 : i32 to index
      %parallel_loop3A_195 = arith.index_cast %parallel_loop3A_115 : i32 to index
      %parallel_loop3A_196 = arith.constant 48 : index
      %parallel_loop3A_197 = tpu.vector_load %arg9[%parallel_loop3A_194, %parallel_loop3A_195, %parallel_loop3A_196] {strides = array<i32>} : memref<2x200x64xf32, #tpu.memory_space<vmem>>, vector<1x1x16xf32>,
      %parallel_loop3A_198 = vector.shape_cast %parallel_loop3A_197 : vector<1x1x16xf32> to vector<16xf32>
      %parallel_loop3A_199 = vector.shape_cast %parallel_loop3A_192 : vector<16xf32> to vector<1x1x16xf32>
      tpu.vector_store %arg9[%parallel_loop3A_194, %parallel_loop3A_195, %parallel_loop3A_196], %parallel_loop3A_199 {strides = array<i32>} : memref<2x200x64xf32, #tpu.memory_space<vmem>>, vector<1x1x16xf32>,
    } {sc.loop_unroll_factor = 4 : i64, sc.parallel_access}
    %dma_start3A_62 = arith.constant 1 : i32
    %dma_start3A_63 = arith.constant 0 : i32
    %dma_start3A_64 = arith.constant 0 : i32
    %dma_start3A_65 = tpu.memref_slice %arg9[%dma_start3A_62, %dma_start3A_63, %dma_start3A_64] : memref<2x200x64xf32, #tpu.memory_space<vmem>> -> memref<1x200x64xf32, #tpu.memory_space<vmem>>
    %dma_start3A_66 = tpu.memref_squeeze %dma_start3A_65 : memref<1x200x64xf32, #tpu.memory_space<vmem>> -> memref<200x64xf32, #tpu.memory_space<vmem>>
    %dma_start3A_67 = arith.constant 0 : i32
    %dma_start3A_68 = arith.constant 0 : i32
    %dma_start3A_69 = tpu.memref_slice %arg5[%sub3A_26, %dma_start3A_67, %dma_start3A_68] : memref<4096x200x64xf32, #tpu.memory_space<hbm>> -> memref<1x200x64xf32, #tpu.memory_space<hbm>>
    %dma_start3A_70 = tpu.memref_squeeze %dma_start3A_69 : memref<1x200x64xf32, #tpu.memory_space<hbm>> -> memref<200x64xf32, #tpu.memory_space<hbm>>
    %dma_start3A_71 = arith.constant 0 : i32
    %dma_start3A_72 = arith.constant 0 : i32
    %dma_start3A_73 = tpu.memref_slice %arg5[%sub3A_26, %dma_start3A_71, %dma_start3A_72] : memref<4096x200x64xf32, #tpu.memory_space<hbm>> -> memref<1x200x64xf32, #tpu.memory_space<hbm>>
    %dma_start3A_74 = tpu.memref_squeeze %dma_start3A_73 : memref<1x200x64xf32, #tpu.memory_space<hbm>> -> memref<200x64xf32, #tpu.memory_space<hbm>>
    %dma_start3A_75 = arith.constant 0 : i32
    %dma_start3A_76 = arith.constant 0 : i32
    %dma_start3A_77 = tpu.memref_slice %arg9[%dma_start3A_62, %dma_start3A_75, %dma_start3A_76] : memref<2x200x64xf32, #tpu.memory_space<vmem>> -> memref<1x200x64xf32, #tpu.memory_space<vmem>>
    %dma_start3A_78 = tpu.memref_squeeze %dma_start3A_77 : memref<1x200x64xf32, #tpu.memory_space<vmem>> -> memref<200x64xf32, #tpu.memory_space<vmem>>
    tpu.enqueue_dma source(%dma_start3A_78 : memref<200x64xf32, #tpu.memory_space<vmem>>) target(%dma_start3A_74 : memref<200x64xf32, #tpu.memory_space<hbm>>) target_semaphore(%arg13 : memref<!tpu.dma_semaphore, #tpu.memory_space<semaphore_mem>>)
    %sub3A_79 = arith.constant 1 : i32
    %sub3A_80 = arith.subi %sub3A_26, %sub3A_79 : i32
    %dma_wait3A_81 = arith.constant 0 : i32
    %dma_wait3A_82 = arith.constant 0 : i32
    %dma_wait3A_83 = arith.constant 0 : i32
    %dma_wait3A_84 = tpu.memref_slice %arg9[%dma_wait3A_81, %dma_wait3A_82, %dma_wait3A_83] : memref<2x200x64xf32, #tpu.memory_space<vmem>> -> memref<1x200x64xf32, #tpu.memory_space<vmem>>
    %dma_wait3A_85 = tpu.memref_squeeze %dma_wait3A_84 : memref<1x200x64xf32, #tpu.memory_space<vmem>> -> memref<200x64xf32, #tpu.memory_space<vmem>>
    %dma_wait3A_86 = arith.constant 0 : i32
    %dma_wait3A_87 = arith.constant 0 : i32
    %dma_wait3A_88 = tpu.memref_slice %arg5[%sub3A_80, %dma_wait3A_86, %dma_wait3A_87] : memref<4096x200x64xf32, #tpu.memory_space<hbm>> -> memref<1x200x64xf32, #tpu.memory_space<hbm>>
    %dma_wait3A_89 = tpu.memref_squeeze %dma_wait3A_88 : memref<1x200x64xf32, #tpu.memory_space<hbm>> -> memref<200x64xf32, #tpu.memory_space<hbm>>
    %dma_wait3A_90 = arith.constant 0 : i32
    %dma_wait3A_91 = arith.constant 0 : i32
    %dma_wait3A_92 = tpu.memref_slice %arg5[%sub3A_80, %dma_wait3A_90, %dma_wait3A_91] : memref<4096x200x64xf32, #tpu.memory_space<hbm>> -> memref<1x200x64xf32, #tpu.memory_space<hbm>>
    %dma_wait3A_93 = tpu.memref_squeeze %dma_wait3A_92 : memref<1x200x64xf32, #tpu.memory_space<hbm>> -> memref<200x64xf32, #tpu.memory_space<hbm>>
    %dma_wait3A_94 = arith.constant 0 : i32
    %dma_wait3A_95 = arith.constant 0 : i32
    %dma_wait3A_96 = tpu.memref_slice %arg9[%dma_wait3A_81, %dma_wait3A_94, %dma_wait3A_95] : memref<2x200x64xf32, #tpu.memory_space<vmem>> -> memref<1x200x64xf32, #tpu.memory_space<vmem>>
    %dma_wait3A_97 = tpu.memref_squeeze %dma_wait3A_96 : memref<1x200x64xf32, #tpu.memory_space<vmem>> -> memref<200x64xf32, #tpu.memory_space<vmem>>
    tpu.wait_dma2 semaphore(%arg12 : memref<!tpu.dma_semaphore, #tpu.memory_space<semaphore_mem>>) src(%dma_wait3A_97 : memref<200x64xf32, #tpu.memory_space<vmem>>) dst(%dma_wait3A_93 : memref<200x64xf32, #tpu.memory_space<hbm>>)
    %dma_wait3A_98 = arith.constant 1 : i32
    %dma_wait3A_99 = arith.constant 0 : i32
    %dma_wait3A_100 = arith.constant 0 : i32
    %dma_wait3A_101 = tpu.memref_slice %arg9[%dma_wait3A_98, %dma_wait3A_99, %dma_wait3A_100] : memref<2x200x64xf32, #tpu.memory_space<vmem>> -> memref<1x200x64xf32, #tpu.memory_space<vmem>>
    %dma_wait3A_102 = tpu.memref_squeeze %dma_wait3A_101 : memref<1x200x64xf32, #tpu.memory_space<vmem>> -> memref<200x64xf32, #tpu.memory_space<vmem>>
    %dma_wait3A_103 = arith.constant 0 : i32
    %dma_wait3A_104 = arith.constant 0 : i32
    %dma_wait3A_105 = tpu.memref_slice %arg5[%sub3A_26, %dma_wait3A_103, %dma_wait3A_104] : memref<4096x200x64xf32, #tpu.memory_space<hbm>> -> memref<1x200x64xf32, #tpu.memory_space<hbm>>
    %dma_wait3A_106 = tpu.memref_squeeze %dma_wait3A_105 : memref<1x200x64xf32, #tpu.memory_space<hbm>> -> memref<200x64xf32, #tpu.memory_space<hbm>>
    %dma_wait3A_107 = arith.constant 0 : i32
    %dma_wait3A_108 = arith.constant 0 : i32
    %dma_wait3A_109 = tpu.memref_slice %arg5[%sub3A_26, %dma_wait3A_107, %dma_wait3A_108] : memref<4096x200x64xf32, #tpu.memory_space<hbm>> -> memref<1x200x64xf32, #tpu.memory_space<hbm>>
    %dma_wait3A_110 = tpu.memref_squeeze %dma_wait3A_109 : memref<1x200x64xf32, #tpu.memory_space<hbm>> -> memref<200x64xf32, #tpu.memory_space<hbm>>
    %dma_wait3A_111 = arith.constant 0 : i32
    %dma_wait3A_112 = arith.constant 0 : i32
    %dma_wait3A_113 = tpu.memref_slice %arg9[%dma_wait3A_98, %dma_wait3A_111, %dma_wait3A_112] : memref<2x200x64xf32, #tpu.memory_space<vmem>> -> memref<1x200x64xf32, #tpu.memory_space<vmem>>
    %dma_wait3A_114 = tpu.memref_squeeze %dma_wait3A_113 : memref<1x200x64xf32, #tpu.memory_space<vmem>> -> memref<200x64xf32, #tpu.memory_space<vmem>>
    tpu.wait_dma2 semaphore(%arg13 : memref<!tpu.dma_semaphore, #tpu.memory_space<semaphore_mem>>) src(%dma_wait3A_114 : memref<200x64xf32, #tpu.memory_space<vmem>>) dst(%dma_wait3A_110 : memref<200x64xf32, #tpu.memory_space<hbm>>)
    return
  }
}

</mosaic_0001>

<sc_bundles>
// kernel: kernel.3.cloned.1.call-start
scs
__scs_entry_jumppad:
0x0: {  	(pc) =	sbr.rel $0x88, $3  }
0x1: {  	(tag) =	ssettag $0x0;
	lr =	simm.s32 $0x1  }
0x2: {  	[smem:$0x3F9E] =	sst lr;
	_ =	strace $0xD0000000  }
0x3: {  	_ = 	snop  }
0x4: {  	_ = 	snop  }
0x5: {  	_ = 	snop  }
0x6: {  	_ = 	snop  }
0x7: {  	_ = 	snop  }
__scs_overlays_trampoline_lowered:
0x8: {  	[smem:$0x3FAD] =	sst s0  }
0x9: {  	[smem:$0x3FAE] =	sst s1  }
0xa: {  	[smem:$0x3FAF] =	sst s2  }
0xb: {  	[smem:$0x3FB0] =	sst s3  }
0xc: {  	[smem:$0x3FB1] =	sst s4  }
0xd: {  	[smem:$0x3FB2] =	sst s5  }
0xe: {  	[smem:$0x3FB3] =	sst s6  }
0xf: {  	[smem:$0x3FB4] =	sst s7  }
0x10: {  	[smem:$0x3FB5] =	sst s8  }
0x11: {  	[smem:$0x3FB6] =	sst s9;
	s0 =	simm.s32 @!p0 $0x0  }
0x12: {  	s1 =	sld [smem:$0x3F9C];
	s0 =	simm.s32 @p0 $0x1  }
0x13: {  	[smem:$0x3FB7] =	sst s0;
	s0 =	simm.s32 @!p1 $0x0  }
0x14: {  	s2 =	sld [smem:$0x3F9B];
	s0 =	simm.s32 @p1 $0x1  }
0x15: {  	[smem:$0x3FB8] =	sst s0;
	s0 =	simm.s32 @!p2 $0x0  }
0x16: {  	s3 =	sld [smem:$0x3FDB];
	s0 =	simm.s32 @p2 $0x1  }
0x17: {  	s4 =	simm.s32 $0x1BF5;
	[smem:$0x3FBA] =	sst s0  }
0x18: {  	s0 =	sld [smem:$0x3F9D];
	_ =	swait.ge [sflag:s4], $0x0  }
0x19: {  	s7 =	sld [smem:$0x3F9E]  }
0x1a: {  	s8 =	sadd.s32 $0xFFFFE003, lr  }
0x1b: {  	s9 =	sadd.s32 $0xFFFFFEF7, lr;
	s5 =	simm.s32 $0xFFFFFFFF;
	p2 =	slt.u32 s8, $0xFFFFF086  }
0x1c: {  	p1 =	slt.u32 s9, $0xF7A;
	s5 =	simm.s32 @!p2 $0x0  }
0x1d: {  	s5 =	simm.s32 @p1 $0x1;
	p0 =	seq.s32 s7, s2  }
0x1e: {  	s7 =	smul.u32 @!p0 $0xF7A, s2;
	p2 =	seq.s32 @!p0 s5, $0x0  }
0x1f: {  	s9 =	smul.u32 $0xF7A, s1;
	s8 =	simm.s32 @!p0 $0x1BF5;
	p2 =	por !p2, p0  }
0x20: {  	[sflag:s8] =	ssyncset.s32 @!p0 $0xFFFFF086;
	s6 =	sadd.s32 @!p0 s3, s7;
	s7 =	simm.s32 @!p0 $0x108  }
0x21: {  	s3 =	sadd.s32 s3, s9;
	s6 =	sadd.s32 @!p0 $0x88, s6;
	s7 =	simm.s32 @p2 $0x1082  }
0x22: {  	[simem:s7], [sflag:s8] =	dma.local @!p0 [hbm:s6], $0xF7A  }
0x23: {  	s9 =	sor.u32 $0xD0000000, s2;
	s6 =	simm.s32 $0x108;
	_ =	swait.ge @!p0 [sflag:s8], $0x0  }
0x24: {  	s3 =	sadd.s32 $0x88, s3;
	s6 =	simm.s32 @!p1 $0x1082;
	[sflag:s4] =	ssyncset.s32 $0xFFFFF086  }
0x25: {  	[simem:s6], [sflag:s4] =	dma.local [hbm:s3], $0xF7A  }
0x26: {  	[smem:$0x3F9E] =	sst s1;
	(tag) =	ssettag s2;
	_ =	strace s9  }
0x27: {  	s1 =	sld [smem:$0x3FAE]  }
0x28: {  	s2 =	sld [smem:$0x3FAF]  }
0x29: {  	s4 =	sld [smem:$0x3FB1]  }
0x2a: {  	p0 =	seq.s32 s5, $0x0;
	s5 =	sld [smem:$0x3FB2]  }
0x2b: {  	s6 =	sld [smem:$0x3FB3]  }
0x2c: {  	s7 =	sld [smem:$0x3FB4]  }
0x2d: {  	s3 =	simm.s32 $0x108;
	s8 =	sld [smem:$0x3FB5]  }
0x2e: {  	s3 =	simm.s32 @!p0 $0x1082;
	s9 =	sld [smem:$0x3FB6]  }
0x2f: {  	lr =	sadd.s32 s0, s3;
	s0 =	sld [smem:$0x3FAD]  }
0x30: {  	s3 =	sld [smem:$0x3FB0]  }
0x31: {  	[smem:$0x3FB9] =	sst s10  }
0x32: {  	s10 =	sld [smem:$0x3FB7];
	_ =	sdelay $0x3  }
0x33: {  	p0 =	seq.s32 s10, $0x1;
	s10 =	sld [smem:$0x3FB9];
	_ =	sdelay $0x3  }
0x34: {  	[smem:$0x3FB9] =	sst s10  }
0x35: {  	s10 =	sld [smem:$0x3FB8];
	_ =	sdelay $0x3  }
0x36: {  	p1 =	seq.s32 s10, $0x1;
	s10 =	sld [smem:$0x3FB9];
	_ =	sdelay $0x3  }
0x37: {  	[smem:$0x3FB9] =	sst s10  }
0x38: {  	s10 =	sld [smem:$0x3FBA]  }
0x39: {  	_ = 	snop;
	(pc) =	sbr.ind lr, $3  }
0x3a: {  	_ = 	snop  }
0x3b: {  	_ = 	snop  }
0x3c: {  	p2 =	seq.s32 s10, $0x1;
	s10 =	sld [smem:$0x3FB9]  }
0x3d: {  	_ =	shalt  }
0x3e: {  	_ =	shalt  }
0x3f: {  	_ =	shalt  }
0x40: {  	_ =	shalt  }
0x41: {  	_ =	shalt  }
0x42: {  	_ =	shalt  }
0x43: {  	_ =	shalt  }
0x44: {  	_ =	shalt  }
0x45: {  	_ =	shalt  }
0x46: {  	_ =	shalt  }
0x47: {  	_ =	shalt  }
0x48: {  	_ =	shalt  }
0x49: {  	_ =	shalt  }
0x4a: {  	_ =	shalt  }
0x4b: {  	_ =	shalt  }
0x4c: {  	_ =	shalt  }
0x4d: {  	_ =	shalt  }
0x4e: {  	_ =	shalt  }
0x4f: {  	_ =	shalt  }
0x50: {  	_ =	shalt  }
0x51: {  	_ =	shalt  }
0x52: {  	_ =	shalt  }
0x53: {  	_ =	shalt  }
0x54: {  	_ =	shalt  }
0x55: {  	_ =	shalt  }
0x56: {  	_ =	shalt  }
0x57: {  	_ =	shalt  }
0x58: {  	_ =	shalt  }
0x59: {  	_ =	shalt  }
0x5a: {  	_ =	shalt  }
0x5b: {  	_ =	shalt  }
0x5c: {  	_ =	shalt  }
0x5d: {  	_ =	shalt  }
0x5e: {  	_ =	shalt  }
0x5f: {  	_ =	shalt  }
0x60: {  	_ =	shalt  }
0x61: {  	_ =	shalt  }
0x62: {  	_ =	shalt  }
0x63: {  	_ =	shalt  }
0x64: {  	_ =	shalt  }
0x65: {  	_ =	shalt  }
0x66: {  	_ =	shalt  }
0x67: {  	_ =	shalt  }
0x68: {  	_ =	shalt  }
0x69: {  	_ =	shalt  }
0x6a: {  	_ =	shalt  }
0x6b: {  	_ =	shalt  }
0x6c: {  	_ =	shalt  }
0x6d: {  	_ =	shalt  }
0x6e: {  	_ =	shalt  }
0x6f: {  	_ =	shalt  }
0x70: {  	_ =	shalt  }
0x71: {  	_ =	shalt  }
0x72: {  	_ =	shalt  }
0x73: {  	_ =	shalt  }
0x74: {  	_ =	shalt  }
0x75: {  	_ =	shalt  }
0x76: {  	_ =	shalt  }
0x77: {  	_ =	shalt  }
0x78: {  	_ =	shalt  }
0x79: {  	_ =	shalt  }
0x7a: {  	_ =	shalt  }
0x7b: {  	_ =	shalt  }
0x7c: {  	_ =	shalt  }
0x7d: {  	_ =	shalt  }
0x7e: {  	_ =	shalt  }
0x7f: {  	_ =	shalt  }
0x80: {  	_ =	shalt  }
0x81: {  	_ =	shalt  }
0x82: {  	_ =	shalt  }
0x83: {  	_ =	shalt  }
0x84: {  	_ =	shalt  }
0x85: {  	_ =	shalt  }
0x86: {  	_ =	shalt  }
0x87: {  	_ =	shalt  }
.Lfunc_end0:
.L_simem_size_0:
called_computation_lowered:
.L_overlay_start_0:
0x88: {  	s2 =	sld [smem:$0x3FD9]  }
0x89: {  	s3 =	sld [smem:$0x3FFE];
	_ =	sdelay $0x1  }
0x8a: {  	s1 =	srdreg.scid  }
0x8b: {  	s0 =	sand.u32 $0x1, s1  }
0x8c: {  	s16 =	sshll.u32 s0, $0xA;
	s2 =	sadd.s32 s3, s2  }
0x8d: {  	s2 =	sadd.s32 s2, s16  }
0x8e: {  	[smem:$0x3FC5] =	sst s2  }
0x8f: {  	_ = 	snop  }
0x90: {  	(tm) =	ssettm $0x1  }
0x91: {  	s17 =	sld [smem:$0x3FFB];
	_ =	sdelay $0x3  }
0x92: {  	_ =	strace s17  }
0x93: {  	s2 =	sld [smem:$0x3FFC];
	_ =	sdelay $0x3  }
0x94: {  	_ =	strace s2  }
0x95: {  	s2 =	sld [smem:$0x3FFD];
	_ =	sdelay $0x3  }
0x96: {  	_ =	strace s2  }
0x97: {  	_ =	strace $0x8FFFFFFF  }
0x98: {  	s18 =	sld [smem:$0x3FDB];
	_ =	sdelay $0x1  }
0x99: {  	s19 =	simm.s32 $_scs_section_size  }
0x9a: {  	s4 =	simm.s32 $_size__tile_overlayer_lowered;
	s5 =	simm.s32 $_tile_overlayer_lowered  }
0x9b: {  	s22 =	simm.s32 $0x1BFF;
	s21 =	sshll.u32 s5, $0x1;
	s2 =	sadd.s32 s19, s18  }
0x9c: {  	s6 =	simm.s32 $0x0;
	s20 =	sshll.u32 s4, $0x1;
	s4 =	sadd.s32 s21, s2  }
0x9d: {  	[timem:s6], [sflag:s22] =	dma.local [hbm:s4], s20  }
0x9e: {  	_ =	swait.ge [sflag:s22], s20  }
0x9f: {  	s3 =	ssub.s32 $0x0, s20;
	[sflag:s22] =	ssyncset.done $0x0  }
0xa0: {  	[sflag:s22] =	ssyncadd.s32 s3;
	_ =	sdelay $0x1  }
0xa1: {  	s23 =	simm.s32 $0x1B8B  }
0xa2: {  	_ =	swait.ge [sflag:s23], $0x1  }
0xa3: {  	[sflag:s23] =	ssyncset.done $0x0  }
0xa4: {  	s25 =	simm.s32 $0x1B8E;
	s24 =	sld [smem:$0x3FFE];
	[sflag:s23] =	ssyncadd.s32 $0xFFFFFFFF  }
0xa5: {  	s26 =	simm.s32 $execute0_lowered;
	[smem:$0x3FD2] =	sst s25  }
0xa6: {  	s4 =	sshll.u32 s26, $0x1;
	_ =	strace $0x80000046;
	[dreg:$0x1] =	wrdreg $0xFFFFFFFF  }
0xa7: {  	s28 =	simm.s32 $_size_execute0_lowered;
	s2 =	sadd.s32 s2, s4;
	[dreg:$0x0] =	wrdreg $0x0  }
0xa8: {  	s4 =	sshll.u32 s28, $0x1;
	[dreg:$0x2] =	wrdreg s2  }
0xa9: {  	[dreg:$0x3] =	wrdreg s4  }
0xaa: {  	[dreg:$0x4] =	wrdreg $0xC0  }
0xab: {  	_ =	task [dreg:s6], $0x5FFFF  }
0xac: {  	[dreg:$0x1] =	wrdreg $0xFFFFFFFF  }
0xad: {  	[dreg:$0x0] =	wrdreg $0x60  }
0xae: {  	[dreg:$0x2] =	wrdreg s24  }
0xaf: {  	[dreg:$0x3] =	wrdreg $0x9  }
0xb0: {  	_ =	task.clear_ibuf [dreg:s6], $0x4FFFF;
	_ =	strace $0x90000046  }
0xb1: {  	s29 =	simm.s32 $0x9;
	_ =	strace $0x80000048  }
0xb2: {  	_ =	swait.ge [sflag:s29], $0x1  }
0xb3: {  	[sflag:s29] =	ssyncadd.s32 $0xFFFFFFFF  }
0xb4: {  	_ =	strace $0x90000048  }
0xb5: {  	_ =	sfence  }
0xb6: {  	s30 =	sld [smem:$0x0];
	_ =	sdelay $0x2  }
0xb7: {  	s31 =	sshll.u32 s1, $0xD;
	s1 =	sshrl.u32 s1, $0x2  }
0xb8: {  	s3 =	sand.u32 $0x4000, s31;
	s1 =	sadd.s32 s1, s30  }
0xb9: {  	s0 =	sor.u32 s3, s0;
	s1 =	sshll.u32 s1, $0x11  }
0xba: {  	s0 =	sor.u32 s1, s0  }
0xbb: {  	s0 =	sadd.s32 $0x8F2B, s0  }
0xbc: {  	[sflag:s0] =	ssyncadd.remote.s32 $0x1  }
0xbd: {  	_ =	sfence.sel $0xFFFF  }
0xbe: {  	[dreg:$0x0] =	wrdreg $0xFFFFFFFF;
	(pc) =	sbr.abs _section_cstart, $3  }
0xbf: {  	[dreg:$0x1] =	wrdreg $0xFFFFFFFF  }
0xc0: {  	_ =	task.clear_ibuf [dreg:s6], $0x2FFFF;
	_ =	strace $0x9FFFFFFF  }
0xc1: {  	(tm) =	ssettm $0x7FFFFFFF  }
tec
execute0_lowered:
.L_overlay_start_1:
0x0: {  	(tag) =	ssettag $0x1  }
0x1: {  	s0 =	rddreg [dreg:$0x0];
	s2 =	simm.s32 $0x0;
	s1 =	srdreg.scid  }
0x2: {  	s3 =	stileid.u32;
	s15 =	simm.s32 $0x5;
	s16 =	simm.s32 $0x80  }
0x3: {  	s17 =	simm.s32 $0x3580;
	s18 =	simm.s32 $0x48;
	s19 =	simm.s32 $0x7580  }
0x4: {  	s20 =	simm.s32 $0x6;
	s21 =	simm.s32 $0x9980;
	s22 =	simm.s32 $0xD980  }
0x5: {  	s23 =	simm.s32 $0x1;
	s1 =	sand.u32 $0x1, s1;
	s4 =	sshll.u32 s3, $0x1  }
0x6: {  	[smem:$0x7FF] =	sst s2;
	s3 =	sadd.s32 $0xC00, s0;
	s5 =	sor.u32 s1, s4  }
0x7: {  	s6 =	sadd.s32 $0x400, s0;
	_ =	strace $0x80000047;
	s7 =	smul.u32 $0x320000, s5  }
0x8: {  	s4 =	sadd.s32 $0x19C00, s0;
	s1 =	ssub.s32 $0x2, s1;
	s9 =	smul.u32 $0xC80, s5  }
0x9: {  	[dreg:$0x2] =	wrdreg s6;
	s6 =	sadd.s32 $0x1A0600, s0;
	s8 =	sshrl.u32 s1, $0x1  }
0xa: {  	s29 =	ssub.s32 s1, s8;
	s30 =	sshrl.u32 s7, $0x3;
	s31 =	sadd.s32 s3, s9  }
0xb: {  	s7 =	sshll.u32 s5, $0x7;
	s0 =	smax.u32 s29, $0x1;
	[dreg:$0x3] =	wrdreg s31  }
0xc: {  	s1 =	sadd.s32 s6, s30;
	s5 =	sadd.s32 $0x19, s31;
	[dreg:$0x6] =	wrdreg s0  }
0xd: {  	s24 =	simm.s32 $0xFD80;
	[dreg:$0x4] =	wrdreg s5;
	s1 =	sadd.s32 $0x63380, s1  }
0xe: {  	s25 =	simm.s32 $0x2;
	[dreg:$0x5] =	wrdreg s1;
	s1 =	simm.s32 $0x0  }
.LBB2_1:
0xf: {  	[dreg:$0x7] =	wrdreg s1  }
0x10: {  	s0 =	rddreg [dreg:$0x2];
	s14 =	simm.s32 $0x7  }
0x11: {  	[tilespmem:s2], [sflag:$0x7] =	stream.linear.gather [hbm4b:s0+s2], $0x3200, $0x38;
	[tilespmem:$0x1C580] =	vst v63  }
0x12: {  	_ =	swait.ge [sflag:s14], $0x3200  }
0x13: {  	[sflag:s14] =	ssyncset.done $0x0  }
0x14: {  	s28 =	simm.s32 $0x3200;
	s26 =	rddreg [dreg:$0x3];
	[sflag:s14] =	ssyncadd.s32 $0xFFFFCE00  }
0x15: {  	[tilespmem:s28], [sflag:$0x5] =	stream.linear.gather [hbm4b:s26+s2], $0xC8, $0x38;
	[tilespmem:$0x1C580] =	vst v63  }
0x16: {  	s30 =	simm.s32 $0x32C8;
	s31 =	simm.s32 $0x0;
	s29 =	rddreg [dreg:$0x4]  }
0x17: {  	[tilespmem:s30], [sflag:$0x6] =	stream.linear.gather [hbm4b:s29+s2], $0xC8, $0x38;
	[tilespmem:$0x1C580] =	vst v63  }
.LBB2_2:
0x18: {  	s1 =	sshll.u32 s31, $0x1  }
0x19: {  	s5 =	sand.u32 $0x2, s1  }
0x1a: {  	s0 =	smul.u32 $0x320, s5  }
0x1b: {  	_ =	swait.ge [sflag:s15], $0xC8  }
0x1c: {  	p0 =	seq.s32 s31, $0x3F;
	[sflag:s15] =	ssyncset.done $0x0;
	s13 =	sshrl.u32 s0, $0x2  }
0x1d: {  	[sflag:s15] =	ssyncadd.s32 $0xFFFFFF38;
	s5 =	sxor.u32 @!p0 $0x2, s5;
	s0 =	sor.u32 $0x3200, s13  }
0x1e: {  	[tilespmem:s17], [sflag:$0x1] =	stream.indirect.gather [hbm4b:s4+s16], $0x80, s0, s16, $0xb8;
	[tilespmem:$0x1C580] =	vst v63  }
0x1f: {  	p1 =	seq.s32 @!p0 s31, $0x0;
	s5 =	smul.u32 @!p0 $0x320, s5;
	s0 =	sadd.s32 s7, s1  }
0x20: {  	p1 =	por p0, !p1;
	s30 =	sadd.s32 $0x3280, s13;
	s14 =	smul.u32 @!p0 $0xC8, s0  }
0x21: {  	[tilespmem:s19], [sflag:$0x1] =	stream.indirect.gather [hbm4b:s4+s18], $0x80, s30, s18, $0xb8;
	[tilespmem:$0x1C580] =	vst v63  }
.Ltmp0:
0x22: {  	_ = 	snop;
	(pc) =	sbr.rel @!p1 .LBB2_3-.Ltmp0, $4  }
0x23: {  	s8 =	sshrl.u32 @!p0 s14, $0x3  }
0x24: {  	s5 =	sshrl.u32 @!p0 s5, $0x2;
	s8 =	sadd.s32 @!p0 s3, s8  }
0x25: {  	s9 =	sadd.s32 @!p0 $0x3200, s5;
	s5 =	simm.s32 @!p0 $0x0;
	s8 =	sadd.s32 @!p0 $0x32, s8  }
0x26: {  	[tilespmem:s9], [sflag:$0x5] =	stream.linear.gather @!p0 [hbm4b:s8+s5], $0xC8, $0x38;
	[tilespmem:$0x1C580] =	vst v63  }
0x27: {  	_ =	swait.ge [sflag:s25], $0x6400  }
0x28: {  	p1 =	seq.s32 s31, $0x1;
	[sflag:s25] =	ssyncset.done $0x0  }
0x29: {  	s8 =	simm.s32 @!p1 $0x4;
	[sflag:s25] =	ssyncadd.s32 $0xFFFF9C00  }
0x2a: {  	_ =	swait.ge @!p1 [sflag:s8], $0x6400  }
0x2b: {  	[sflag:s8] =	ssyncset.done @!p1 $0x0  }
0x2c: {  	[sflag:s8] =	ssyncadd.s32 @!p1 $0xFFFF9C00;
	s8 =	simm.s32 $0x80  }
0x2d: {  	s9 =	simm.s32 $0x0;
	v0 =	vld [tilespmem:s8+$0x40]  }
0x2e: {  	v1 =	vld [tilespmem:s9+$0x9B00]  }
0x2f: {  	v2 =	vld [tilespmem:s9+$0x9980]  }
0x30: {  	v3 =	vld [tilespmem:s9+$0x9A00]  }
0x31: {  	v4 =	vld [tilespmem:s9+$0x9A80]  }
0x32: {  	v5 =	vld [tilespmem:s8+$0xFFFFFFC0]  }
0x33: {  	v0 =	vadd.f32 v1, v0;
	v1 =	vld [tilespmem:s8+$0x0]  }
0x34: {  	s10 =	simm.s32 $0xC0;
	v6 =	vld [tilespmem:s8+$0xFFFFFF80]  }
0x35: {  	s11 =	sor.u32 $0x50, s10;
	[tilespmem:s9+$0x16300] =	vst v0;
	v0 =	vld [tilespmem:s9+$0x9B10]  }
0x36: {  	v7 =	vld [tilespmem:s11+$0x0]  }
0x37: {  	v8 =	vld [tilespmem:s9+$0x9990];
	v3 =	vadd.f32 v3, v5  }
0x38: {  	s26 =	simm.s32 $0x40;
	v5 =	vld [tilespmem:s9+$0x9A10];
	v1 =	vadd.f32 v4, v1  }
0x39: {  	s12 =	sor.u32 $0x50, s26;
	v2 =	vadd.f32 v2, v6;
	[tilespmem:s9+$0x16200] =	vst v3;
	v3 =	vld [tilespmem:s9+$0x9A90]  }
0x3a: {  	v4 =	vld [tilespmem:s12+$0x0];
	[tilespmem:s9+$0x16280] =	vst v1  }
0x3b: {  	[tilespmem:s9+$0x16180] =	vst v2;
	v0 =	vadd.f32 v0, v7;
	v1 =	vld [tilespmem:s8+$0x10]  }
0x3c: {  	v2 =	vld [tilespmem:s8+$0xFFFFFF90]  }
0x3d: {  	s28 =	sor.u32 $0x60, s10;
	[tilespmem:s9+$0x16310] =	vst v0;
	v0 =	vld [tilespmem:s9+$0x9B20]  }
0x3e: {  	v6 =	vld [tilespmem:s28+$0x0]  }
0x3f: {  	v7 =	vld [tilespmem:s9+$0x99A0];
	v4 =	vadd.f32 v5, v4  }
0x40: {  	v5 =	vld [tilespmem:s9+$0x9A20];
	v1 =	vadd.f32 v3, v1  }
0x41: {  	s29 =	sor.u32 $0x60, s26;
	v2 =	vadd.f32 v8, v2;
	[tilespmem:s9+$0x16210] =	vst v4;
	v3 =	vld [tilespmem:s9+$0x9AA0]  }
0x42: {  	v4 =	vld [tilespmem:s29+$0x0];
	[tilespmem:s9+$0x16290] =	vst v1  }
0x43: {  	[tilespmem:s9+$0x16190] =	vst v2;
	v0 =	vadd.f32 v0, v6;
	v2 =	vld [tilespmem:s8+$0x20]  }
0x44: {  	v6 =	vld [tilespmem:s8+$0xFFFFFFA0]  }
0x45: {  	s30 =	sor.u32 $0x70, s10;
	v8 =	vld [tilespmem:s9+$0x9B30];
	[tilespmem:s9+$0x16320] =	vst v0  }
0x46: {  	v9 =	vld [tilespmem:s30+$0x0]  }
0x47: {  	v1 =	vld [tilespmem:s9+$0x9A30];
	v4 =	vadd.f32 v5, v4  }
0x48: {  	v0 =	vld [tilespmem:s9+$0x99B0];
	v5 =	vadd.f32 v3, v2  }
0x49: {  	s11 =	sor.u32 $0x70, s26;
	[tilespmem:s9+$0x16220] =	vst v4;
	v6 =	vadd.f32 v7, v6;
	v2 =	vld [tilespmem:s9+$0x9AB0]  }
0x4a: {  	v3 =	vld [tilespmem:s11+$0x0];
	[tilespmem:s9+$0x162A0] =	vst v5  }
0x4b: {  	[tilespmem:s9+$0x161A0] =	vst v6;
	v4 =	vld [tilespmem:s8+$0x30];
	v6 =	vadd.f32 v8, v9  }
0x4c: {  	s12 =	simm.s32 $0x180;
	s11 =	simm.s32 $0x0;
	v5 =	vld [tilespmem:s8+$0xFFFFFFB0];
	s8 =	simm.s32 $0x800  }
.LBB2_5:
0x4d: {  	s29 =	sshra.s32 s8, $0x2;
	v7 =	vld [tilespmem:s12+$0x40];
	s11 =	sadd.s32 $0x4, s11;
	[tilespmem:s9+$0x16330] =	vst v6  }
0x4e: {  	v6 =	vld [tilespmem:s29+$0x9B00];
	p1 =	slt.u32 s11, $0xC4  }
0x4f: {  	v8 =	vld [tilespmem:s29+$0x9980];
	v1 =	vadd.f32 v1, v3  }
0x50: {  	v3 =	vld [tilespmem:s29+$0x9A00];
	v2 =	vadd.f32 v2, v4  }
0x51: {  	v4 =	vld [tilespmem:s29+$0x9A80];
	v0 =	vadd.f32 v0, v5;
	[tilespmem:s9+$0x16230] =	vst v1  }
0x52: {  	v1 =	vld [tilespmem:s12+$0xFFFFFFC0];
	[tilespmem:s9+$0x162B0] =	vst v2  }
0x53: {  	v2 =	vld [tilespmem:s12+$0x0];
	v5 =	vadd.f32 v6, v7;
	[tilespmem:s9+$0x161B0] =	vst v0;
	s9 =	smov.u32 s29  }
0x54: {  	s10 =	sadd.s32 $0x100, s10;
	v0 =	vld [tilespmem:s12+$0xFFFFFF80]  }
0x55: {  	s26 =	sor.u32 $0x50, s10;
	s29 =	sadd.s32 $0xFFFFFF80, s10;
	[tilespmem:s9+$0x16300] =	vst v5;
	v5 =	vld [tilespmem:s9+$0x9B10]  }
0x56: {  	s30 =	sor.u32 $0x50, s29;
	s28 =	sor.u32 $0x60, s29;
	s29 =	sor.u32 $0x70, s29;
	v6 =	vld [tilespmem:s26+$0x0]  }
0x57: {  	v7 =	vld [tilespmem:s9+$0x9990];
	v1 =	vadd.f32 v3, v1  }
0x58: {  	v3 =	vld [tilespmem:s9+$0x9A10];
	v2 =	vadd.f32 v4, v2  }
0x59: {  	v0 =	vadd.f32 v8, v0;
	[tilespmem:s9+$0x16200] =	vst v1;
	v1 =	vld [tilespmem:s9+$0x9A90]  }
0x5a: {  	v4 =	vld [tilespmem:s30+$0x0];
	[tilespmem:s9+$0x16280] =	vst v2  }
0x5b: {  	[tilespmem:s9+$0x16180] =	vst v0;
	v0 =	vld [tilespmem:s12+$0x10];
	v2 =	vadd.f32 v5, v6  }
0x5c: {  	v5 =	vld [tilespmem:s12+$0xFFFFFF90]  }
0x5d: {  	s26 =	sor.u32 $0x60, s10;
	[tilespmem:s9+$0x16310] =	vst v2;
	v2 =	vld [tilespmem:s9+$0x9B20]  }
0x5e: {  	v6 =	vld [tilespmem:s26+$0x0]  }
0x5f: {  	v8 =	vld [tilespmem:s9+$0x99A0];
	v3 =	vadd.f32 v3, v4  }
0x60: {  	v4 =	vld [tilespmem:s9+$0x9A20];
	v0 =	vadd.f32 v1, v0  }
0x61: {  	v1 =	vadd.f32 v7, v5;
	[tilespmem:s9+$0x16210] =	vst v3;
	v3 =	vld [tilespmem:s9+$0x9AA0]  }
0x62: {  	v5 =	vld [tilespmem:s28+$0x0];
	[tilespmem:s9+$0x16290] =	vst v0  }
0x63: {  	[tilespmem:s9+$0x16190] =	vst v1;
	v7 =	vld [tilespmem:s12+$0x20];
	v0 =	vadd.f32 v2, v6  }
0x64: {  	v2 =	vld [tilespmem:s12+$0xFFFFFFA0]  }
0x65: {  	s26 =	sor.u32 $0x70, s10;
	[tilespmem:s9+$0x16320] =	vst v0;
	v6 =	vld [tilespmem:s9+$0x9B30]  }
0x66: {  	v9 =	vld [tilespmem:s26+$0x0]  }
0x67: {  	v0 =	vld [tilespmem:s9+$0x99B0];
	v4 =	vadd.f32 v4, v5  }
.Ltmp1:
0x68: {  	v1 =	vld [tilespmem:s9+$0x9A30];
	v5 =	vadd.f32 v3, v7;
	(pc) =	sbr.rel @p1 .LBB2_5-.Ltmp1, $4  }
0x69: {  	v7 =	vadd.f32 v8, v2;
	[tilespmem:s9+$0x16220] =	vst v4;
	v2 =	vld [tilespmem:s9+$0x9AB0]  }
0x6a: {  	v3 =	vld [tilespmem:s29+$0x0];
	[tilespmem:s9+$0x162A0] =	vst v5  }
0x6b: {  	[tilespmem:s9+$0x161A0] =	vst v7;
	v4 =	vld [tilespmem:s12+$0x30];
	v6 =	vadd.f32 v6, v9  }
0x6c: {  	s8 =	sadd.s32 $0x800, s8;
	v5 =	vld [tilespmem:s12+$0xFFFFFFB0];
	s12 =	sadd.s32 $0x100, s12  }
0x6d: {  	_ =	sdelay $0x1  }
0x6e: {  	s8 =	smul.u32 $0x6400, s0;
	v1 =	vadd.f32 v1, v3  }
.Ltmp2:
0x6f: {  	[tilespmem:s9+$0x16330] =	vst v6;
	v2 =	vadd.f32 v2, v4;
	(pc) =	sbr.rel .LBB2_7-.Ltmp2, $4  }
0x70: {  	s8 =	sadd.s32 $0xFFFF9C00, s8;
	v0 =	vadd.f32 v0, v5;
	[tilespmem:s9+$0x16230] =	vst v1  }
0x71: {  	s8 =	sshrl.u32 s8, $0x3;
	[tilespmem:s9+$0x162B0] =	vst v2  }
0x72: {  	s30 =	simm.s32 $0x16180;
	p1 =	por $0x0, $0x0;
	s8 =	sadd.s32 s6, s8;
	[tilespmem:s9+$0x161B0] =	vst v0  }
0x73: {  	[hbm4b:s8+s2] =	stream.linear.scatter [tilespmem:s30], [sflag:$0x4], $0x6400, $0x38;
	[tilespmem:$0x1C580] =	vst v63  }
.LBB2_3:
0x74: {  	p1 =	por @!p0 $0x1, $0x1  }
.LBB2_7:
0x75: {  	_ =	swait.ge [sflag:s20], $0xC8;
	s1 =	sadd.s32 @!p0 $0xFFFFFFFF, s1  }
0x76: {  	[sflag:s20] =	ssyncset.done $0x0;
	s1 =	sand.u32 @!p0 $0x3, s1  }
0x77: {  	s8 =	sadd.s32 $0x32C8, s13;
	[sflag:s20] =	ssyncadd.s32 $0xFFFFFF38;
	s1 =	smul.u32 @!p0 $0x320, s1  }
0x78: {  	[tilespmem:s21], [sflag:$0x2] =	stream.indirect.gather [hbm4b:s4+s16], $0x80, s8, s16, $0xb8;
	[tilespmem:$0x1C580] =	vst v63  }
0x79: {  	s8 =	sadd.s32 @!p0 $0x258, s14  }
0x7a: {  	s13 =	sadd.s32 $0x3348, s13;
	s1 =	sshrl.u32 @!p0 s1, $0x2;
	s8 =	sshrl.u32 @!p0 s8, $0x3  }
0x7b: {  	[tilespmem:s22], [sflag:$0x2] =	stream.indirect.gather [hbm4b:s4+s18], $0x80, s13, s18, $0xb8;
	[tilespmem:$0x1C580] =	vst v63  }
0x7c: {  	s1 =	sadd.s32 @!p0 $0x3200, s1;
	s8 =	sadd.s32 @!p0 s3, s8  }
0x7d: {  	[tilespmem:s1], [sflag:$0x6] =	stream.linear.gather @!p0 [hbm4b:s8+s5], $0xC8, $0x38;
	[tilespmem:$0x1C580] =	vst v63  }
0x7e: {  	_ =	swait.ge [sflag:s23], $0x6400  }
0x7f: {  	[sflag:s23] =	ssyncset.done $0x0  }
0x80: {  	s1 =	simm.s32 @!p1 $0x3;
	[sflag:s23] =	ssyncadd.s32 $0xFFFF9C00  }
0x81: {  	_ =	swait.ge @!p1 [sflag:s1], $0x6400  }
0x82: {  	[sflag:s1] =	ssyncset.done @!p1 $0x0  }
0x83: {  	[sflag:s1] =	ssyncadd.s32 @!p1 $0xFFFF9C00;
	s1 =	simm.s32 $0x80  }
0x84: {  	s9 =	simm.s32 $0x3680;
	v0 =	vld [tilespmem:s1+$0x40]  }
0x85: {  	v1 =	vld [tilespmem:s9+$0x80]  }
0x86: {  	v2 =	vld [tilespmem:s9+$0xFFFFFF00]  }
0x87: {  	v3 =	vld [tilespmem:s1+$0xFFFFFFC0]  }
0x88: {  	v4 =	vld [tilespmem:s9+$0xFFFFFF80]  }
0x89: {  	v5 =	vld [tilespmem:s1+$0x0]  }
0x8a: {  	v6 =	vld [tilespmem:s9+$0x0];
	v0 =	vadd.f32 v1, v0  }
0x8b: {  	s10 =	simm.s32 $0xC0;
	s5 =	simm.s32 $0xFE80;
	v1 =	vld [tilespmem:s1+$0xFFFFFF80]  }
0x8c: {  	s14 =	sor.u32 $0x50, s10;
	[tilespmem:s5+$0x80] =	vst v0  }
0x8d: {  	v0 =	vadd.f32 v4, v3;
	v3 =	vld [tilespmem:s14+$0x0]  }
0x8e: {  	s26 =	simm.s32 $0x40;
	v4 =	vld [tilespmem:s9+$0x90]  }
0x8f: {  	s11 =	sor.u32 $0x50, s26;
	[tilespmem:s5+$0xFFFFFF80] =	vst v0;
	v0 =	vadd.f32 v6, v5  }
0x90: {  	v1 =	vadd.f32 v2, v1;
	v2 =	vld [tilespmem:s11+$0x0]  }
0x91: {  	v5 =	vld [tilespmem:s9+$0xFFFFFF90];
	[tilespmem:s5+$0x0] =	vst v0  }
0x92: {  	[tilespmem:s5+$0xFFFFFF00] =	vst v1;
	v0 =	vld [tilespmem:s1+$0x10]  }
0x93: {  	v1 =	vld [tilespmem:s1+$0xFFFFFF90];
	v3 =	vadd.f32 v4, v3  }
0x94: {  	v4 =	vld [tilespmem:s9+$0xFFFFFF10]  }
0x95: {  	s28 =	sor.u32 $0x60, s10;
	v6 =	vld [tilespmem:s9+$0x10];
	[tilespmem:s5+$0x90] =	vst v3  }
0x96: {  	v2 =	vadd.f32 v5, v2;
	v3 =	vld [tilespmem:s28+$0x0]  }
0x97: {  	v5 =	vld [tilespmem:s9+$0xA0]  }
0x98: {  	s29 =	sor.u32 $0x60, s26;
	[tilespmem:s5+$0xFFFFFF90] =	vst v2  }
0x99: {  	v1 =	vadd.f32 v4, v1;
	v2 =	vld [tilespmem:s29+$0x0]  }
0x9a: {  	v4 =	vld [tilespmem:s9+$0xFFFFFFA0]  }
0x9b: {  	v0 =	vadd.f32 v6, v0;
	[tilespmem:s5+$0xFFFFFF10] =	vst v1  }
0x9c: {  	v6 =	vld [tilespmem:s1+$0xFFFFFFA0];
	v1 =	vadd.f32 v5, v3  }
0x9d: {  	[tilespmem:s5+$0x10] =	vst v0;
	v7 =	vld [tilespmem:s9+$0xFFFFFF20]  }
0x9e: {  	s30 =	sor.u32 $0x70, s10;
	v0 =	vld [tilespmem:s1+$0x20];
	[tilespmem:s5+$0xA0] =	vst v1  }
0x9f: {  	v3 =	vadd.f32 v4, v2;
	v1 =	vld [tilespmem:s30+$0x0]  }
0xa0: {  	v2 =	vld [tilespmem:s9+$0xB0]  }
0xa1: {  	s8 =	sor.u32 $0x70, s26;
	v5 =	vld [tilespmem:s9+$0x20];
	[tilespmem:s5+$0xFFFFFFA0] =	vst v3  }
0xa2: {  	s13 =	simm.s32 $0xFE80;
	v3 =	vld [tilespmem:s8+$0x0];
	v6 =	vadd.f32 v7, v6  }
0xa3: {  	s14 =	simm.s32 $0x3680;
	s11 =	simm.s32 $0x0;
	v4 =	vld [tilespmem:s9+$0xFFFFFFB0];
	s8 =	simm.s32 $0x180  }
.LBB2_8:
0xa4: {  	v7 =	vld [tilespmem:s8+$0x40];
	[tilespmem:s5+$0xFFFFFF20] =	vst v6;
	s9 =	sadd.s32 $0x200, s9  }
0xa5: {  	v6 =	vld [tilespmem:s9+$0x80];
	v1 =	vadd.f32 v2, v1  }
0xa6: {  	v2 =	vld [tilespmem:s9+$0xFFFFFF00];
	v0 =	vadd.f32 v5, v0  }
0xa7: {  	v5 =	vld [tilespmem:s8+$0xFFFFFFC0];
	[tilespmem:s5+$0xB0] =	vst v1  }
0xa8: {  	s11 =	sadd.s32 $0x4, s11;
	v1 =	vld [tilespmem:s9+$0xFFFFFF80];
	v3 =	vadd.f32 v4, v3;
	[tilespmem:s5+$0x20] =	vst v0  }
0xa9: {  	p0 =	slt.u32 s11, $0xC4;
	v0 =	vld [tilespmem:s8+$0x0]  }
0xaa: {  	v4 =	vld [tilespmem:s9+$0x0];
	v6 =	vadd.f32 v6, v7;
	[tilespmem:s5+$0xFFFFFFB0] =	vst v3  }
0xab: {  	s10 =	sadd.s32 $0x100, s10;
	s5 =	sadd.s32 $0x200, s5;
	v3 =	vld [tilespmem:s8+$0xFFFFFF80]  }
0xac: {  	s12 =	sadd.s32 $0xFFFFFF80, s10;
	s26 =	sor.u32 $0x50, s10;
	[tilespmem:s5+$0x80] =	vst v6;
	v6 =	vld [tilespmem:s1+$0xFFFFFFB0]  }
0xad: {  	s28 =	sor.u32 $0x50, s12;
	s29 =	sor.u32 $0x60, s12;
	s12 =	sor.u32 $0x70, s12;
	v1 =	vadd.f32 v1, v5;
	v5 =	vld [tilespmem:s26+$0x0]  }
0xae: {  	v7 =	vld [tilespmem:s9+$0x90]  }
0xaf: {  	[tilespmem:s5+$0xFFFFFF80] =	vst v1;
	v0 =	vadd.f32 v4, v0;
	v1 =	vld [tilespmem:s14+$0xFFFFFF30]  }
0xb0: {  	v2 =	vadd.f32 v2, v3;
	v3 =	vld [tilespmem:s28+$0x0]  }
0xb1: {  	v4 =	vld [tilespmem:s9+$0xFFFFFF90];
	[tilespmem:s5+$0x0] =	vst v0  }
0xb2: {  	[tilespmem:s5+$0xFFFFFF00] =	vst v2;
	v0 =	vld [tilespmem:s8+$0x10]  }
0xb3: {  	v2 =	vld [tilespmem:s8+$0xFFFFFF90];
	v5 =	vadd.f32 v7, v5  }
0xb4: {  	v7 =	vld [tilespmem:s9+$0xFFFFFF10];
	v1 =	vadd.f32 v1, v6  }
0xb5: {  	s26 =	sor.u32 $0x60, s10;
	v6 =	vld [tilespmem:s9+$0x10];
	[tilespmem:s5+$0x90] =	vst v5  }
0xb6: {  	v3 =	vadd.f32 v4, v3;
	v4 =	vld [tilespmem:s26+$0x0];
	[tilespmem:s13+$0xFFFFFF30] =	vst v1  }
0xb7: {  	v1 =	vld [tilespmem:s9+$0xA0]  }
0xb8: {  	[tilespmem:s5+$0xFFFFFF90] =	vst v3;
	v3 =	vld [tilespmem:s1+$0x30];
	s1 =	smov.u32 s8  }
0xb9: {  	v2 =	vadd.f32 v7, v2;
	v5 =	vld [tilespmem:s29+$0x0]  }
0xba: {  	v7 =	vld [tilespmem:s9+$0xFFFFFFA0];
	v0 =	vadd.f32 v6, v0  }
0xbb: {  	[tilespmem:s5+$0xFFFFFF10] =	vst v2;
	v6 =	vld [tilespmem:s14+$0x30];
	s14 =	smov.u32 s9  }
0xbc: {  	v8 =	vld [tilespmem:s8+$0xFFFFFFA0];
	[tilespmem:s5+$0x10] =	vst v0;
	v1 =	vadd.f32 v1, v4  }
0xbd: {  	v4 =	vld [tilespmem:s9+$0xFFFFFF20]  }
0xbe: {  	s26 =	sor.u32 $0x70, s10;
	v0 =	vld [tilespmem:s8+$0x20];
	[tilespmem:s5+$0xA0] =	vst v1  }
.Ltmp3:
0xbf: {  	v5 =	vadd.f32 v7, v5;
	v1 =	vld [tilespmem:s26+$0x0];
	(pc) =	sbr.rel @p0 .LBB2_8-.Ltmp3, $4  }
0xc0: {  	v2 =	vld [tilespmem:s9+$0xB0];
	v7 =	vadd.f32 v6, v3  }
0xc1: {  	[tilespmem:s5+$0xFFFFFFA0] =	vst v5;
	v5 =	vld [tilespmem:s9+$0x20]  }
0xc2: {  	v6 =	vadd.f32 v4, v8;
	v3 =	vld [tilespmem:s12+$0x0];
	[tilespmem:s13+$0x30] =	vst v7;
	s13 =	smov.u32 s5  }
0xc3: {  	s8 =	sadd.s32 $0x100, s8;
	v4 =	vld [tilespmem:s9+$0xFFFFFFB0]  }
0xc4: {  	_ =	sdelay $0x1  }
0xc5: {  	[tilespmem:s5+$0xFFFFFF20] =	vst v6;
	v0 =	vadd.f32 v5, v0  }
0xc6: {  	v59 =	vld [tilespmem:s1+$0xFFFFFFB0]  }
0xc7: {  	v60 =	vld [tilespmem:s14+$0xFFFFFF30];
	[tilespmem:s5+$0x20] =	vst v0  }
0xc8: {  	v61 =	vld [tilespmem:s1+$0x30]  }
0xc9: {  	v7 =	vld [tilespmem:s14+$0x30];
	_ =	sdelay $0x1  }
0xca: {  	s31 =	sadd.s32 $0x1, s31;
	v1 =	vadd.f32 v2, v1  }
0xcb: {  	p0 =	sne.s32 s31, $0x40;
	v62 =	vadd.f32 v4, v3  }
.Ltmp4:
0xcc: {  	[tilespmem:s5+$0xB0] =	vst v1;
	v0 =	vadd.f32 v60, v59;
	(pc) =	sbr.rel @p0 .LBB2_2-.Ltmp4, $4  }
0xcd: {  	s0 =	smul.u32 $0xC80, s0;
	[tilespmem:s5+$0xFFFFFFB0] =	vst v62;
	v63 =	vadd.f32 v7, v61  }
0xce: {  	[tilespmem:s13+$0xFFFFFF30] =	vst v0  }
0xcf: {  	s0 =	sadd.s32 s6, s0;
	[tilespmem:s13+$0x30] =	vst v63  }
0xd0: {  	[hbm4b:s0+s2] =	stream.linear.scatter [tilespmem:s24], [sflag:$0x3], $0x6400, $0x38;
	[tilespmem:$0x1C580] =	vst v63  }
0xd1: {  	_ =	swait.ge [sflag:s25], $0x6400  }
0xd2: {  	[sflag:s25] =	ssyncset.done $0x0  }
0xd3: {  	s14 =	simm.s32 $0x4;
	[sflag:s25] =	ssyncadd.s32 $0xFFFF9C00  }
0xd4: {  	_ =	swait.ge [sflag:s14], $0x6400  }
0xd5: {  	[sflag:s14] =	ssyncset.done $0x0  }
0xd6: {  	s8 =	simm.s32 $0x80;
	[sflag:s14] =	ssyncadd.s32 $0xFFFF9C00  }
0xd7: {  	s0 =	simm.s32 $0x0;
	v0 =	vld [tilespmem:s8+$0x40]  }
0xd8: {  	v1 =	vld [tilespmem:s0+$0x9B00]  }
0xd9: {  	v2 =	vld [tilespmem:s0+$0x9980]  }
0xda: {  	v3 =	vld [tilespmem:s0+$0x9A00]  }
0xdb: {  	v4 =	vld [tilespmem:s0+$0x9A80]  }
0xdc: {  	v5 =	vld [tilespmem:s8+$0xFFFFFFC0]  }
0xdd: {  	v0 =	vadd.f32 v1, v0;
	v1 =	vld [tilespmem:s8+$0x0]  }
0xde: {  	s1 =	simm.s32 $0xC0;
	v6 =	vld [tilespmem:s8+$0xFFFFFF80]  }
0xdf: {  	s5 =	sor.u32 $0x50, s1;
	[tilespmem:s0+$0x16300] =	vst v0;
	v0 =	vld [tilespmem:s0+$0x9B10]  }
0xe0: {  	v7 =	vld [tilespmem:s5+$0x0]  }
0xe1: {  	v8 =	vld [tilespmem:s0+$0x9990];
	v3 =	vadd.f32 v3, v5  }
0xe2: {  	s28 =	simm.s32 $0x40;
	v5 =	vld [tilespmem:s0+$0x9A10];
	v1 =	vadd.f32 v4, v1  }
0xe3: {  	s9 =	sor.u32 $0x50, s28;
	v2 =	vadd.f32 v2, v6;
	[tilespmem:s0+$0x16200] =	vst v3;
	v3 =	vld [tilespmem:s0+$0x9A90]  }
0xe4: {  	v4 =	vld [tilespmem:s9+$0x0];
	[tilespmem:s0+$0x16280] =	vst v1  }
0xe5: {  	[tilespmem:s0+$0x16180] =	vst v2;
	v0 =	vadd.f32 v0, v7;
	v1 =	vld [tilespmem:s8+$0x10]  }
0xe6: {  	v2 =	vld [tilespmem:s8+$0xFFFFFF90]  }
0xe7: {  	s29 =	sor.u32 $0x60, s1;
	[tilespmem:s0+$0x16310] =	vst v0;
	v0 =	vld [tilespmem:s0+$0x9B20]  }
0xe8: {  	v6 =	vld [tilespmem:s29+$0x0]  }
0xe9: {  	v7 =	vld [tilespmem:s0+$0x99A0];
	v4 =	vadd.f32 v5, v4  }
0xea: {  	v5 =	vld [tilespmem:s0+$0x9A20];
	v1 =	vadd.f32 v3, v1  }
0xeb: {  	s30 =	sor.u32 $0x60, s28;
	v2 =	vadd.f32 v8, v2;
	[tilespmem:s0+$0x16210] =	vst v4;
	v3 =	vld [tilespmem:s0+$0x9AA0]  }
0xec: {  	v4 =	vld [tilespmem:s30+$0x0];
	[tilespmem:s0+$0x16290] =	vst v1  }
0xed: {  	[tilespmem:s0+$0x16190] =	vst v2;
	v0 =	vadd.f32 v0, v6;
	v2 =	vld [tilespmem:s8+$0x20]  }
0xee: {  	v6 =	vld [tilespmem:s8+$0xFFFFFFA0]  }
0xef: {  	s31 =	sor.u32 $0x70, s1;
	v8 =	vld [tilespmem:s0+$0x9B30];
	[tilespmem:s0+$0x16320] =	vst v0  }
0xf0: {  	v9 =	vld [tilespmem:s31+$0x0]  }
0xf1: {  	v1 =	vld [tilespmem:s0+$0x9A30];
	v4 =	vadd.f32 v5, v4  }
0xf2: {  	v0 =	vld [tilespmem:s0+$0x99B0];
	v5 =	vadd.f32 v3, v2  }
0xf3: {  	s5 =	sor.u32 $0x70, s28;
	[tilespmem:s0+$0x16220] =	vst v4;
	v6 =	vadd.f32 v7, v6;
	v2 =	vld [tilespmem:s0+$0x9AB0]  }
0xf4: {  	v3 =	vld [tilespmem:s5+$0x0];
	[tilespmem:s0+$0x162A0] =	vst v5  }
0xf5: {  	[tilespmem:s0+$0x161A0] =	vst v6;
	v4 =	vld [tilespmem:s8+$0x30];
	v6 =	vadd.f32 v8, v9  }
0xf6: {  	s9 =	simm.s32 $0x180;
	s5 =	simm.s32 $0x0;
	v5 =	vld [tilespmem:s8+$0xFFFFFFB0];
	s8 =	simm.s32 $0x800  }
.LBB2_11:
0xf7: {  	s10 =	sshra.s32 s8, $0x2;
	v7 =	vld [tilespmem:s9+$0x40];
	s5 =	sadd.s32 $0x4, s5;
	[tilespmem:s0+$0x16330] =	vst v6  }
0xf8: {  	v6 =	vld [tilespmem:s10+$0x9B00];
	p0 =	slt.u32 s5, $0xC4  }
0xf9: {  	v8 =	vld [tilespmem:s10+$0x9980];
	v1 =	vadd.f32 v1, v3  }
0xfa: {  	v3 =	vld [tilespmem:s10+$0x9A00];
	v2 =	vadd.f32 v2, v4  }
0xfb: {  	v4 =	vld [tilespmem:s10+$0x9A80];
	v0 =	vadd.f32 v0, v5;
	[tilespmem:s0+$0x16230] =	vst v1  }
0xfc: {  	v1 =	vld [tilespmem:s9+$0xFFFFFFC0];
	[tilespmem:s0+$0x162B0] =	vst v2  }
0xfd: {  	v2 =	vld [tilespmem:s9+$0x0];
	v5 =	vadd.f32 v6, v7;
	[tilespmem:s0+$0x161B0] =	vst v0;
	s0 =	smov.u32 s10  }
0xfe: {  	s1 =	sadd.s32 $0x100, s1;
	v0 =	vld [tilespmem:s9+$0xFFFFFF80]  }
0xff: {  	s11 =	sor.u32 $0x50, s1;
	s10 =	sadd.s32 $0xFFFFFF80, s1;
	[tilespmem:s0+$0x16300] =	vst v5;
	v5 =	vld [tilespmem:s0+$0x9B10]  }
0x100: {  	s12 =	sor.u32 $0x50, s10;
	s13 =	sor.u32 $0x60, s10;
	s10 =	sor.u32 $0x70, s10;
	v6 =	vld [tilespmem:s11+$0x0]  }
0x101: {  	v7 =	vld [tilespmem:s0+$0x9990];
	v1 =	vadd.f32 v3, v1  }
0x102: {  	v3 =	vld [tilespmem:s0+$0x9A10];
	v2 =	vadd.f32 v4, v2  }
0x103: {  	v0 =	vadd.f32 v8, v0;
	[tilespmem:s0+$0x16200] =	vst v1;
	v1 =	vld [tilespmem:s0+$0x9A90]  }
0x104: {  	v4 =	vld [tilespmem:s12+$0x0];
	[tilespmem:s0+$0x16280] =	vst v2  }
0x105: {  	[tilespmem:s0+$0x16180] =	vst v0;
	v0 =	vld [tilespmem:s9+$0x10];
	v2 =	vadd.f32 v5, v6  }
0x106: {  	v5 =	vld [tilespmem:s9+$0xFFFFFF90]  }
0x107: {  	s11 =	sor.u32 $0x60, s1;
	[tilespmem:s0+$0x16310] =	vst v2;
	v2 =	vld [tilespmem:s0+$0x9B20]  }
0x108: {  	v6 =	vld [tilespmem:s11+$0x0]  }
0x109: {  	v8 =	vld [tilespmem:s0+$0x99A0];
	v3 =	vadd.f32 v3, v4  }
0x10a: {  	v4 =	vld [tilespmem:s0+$0x9A20];
	v0 =	vadd.f32 v1, v0  }
0x10b: {  	v1 =	vadd.f32 v7, v5;
	[tilespmem:s0+$0x16210] =	vst v3;
	v3 =	vld [tilespmem:s0+$0x9AA0]  }
0x10c: {  	v5 =	vld [tilespmem:s13+$0x0];
	[tilespmem:s0+$0x16290] =	vst v0  }
0x10d: {  	[tilespmem:s0+$0x16190] =	vst v1;
	v7 =	vld [tilespmem:s9+$0x20];
	v0 =	vadd.f32 v2, v6  }
0x10e: {  	v2 =	vld [tilespmem:s9+$0xFFFFFFA0]  }
0x10f: {  	s11 =	sor.u32 $0x70, s1;
	[tilespmem:s0+$0x16320] =	vst v0;
	v6 =	vld [tilespmem:s0+$0x9B30]  }
0x110: {  	v9 =	vld [tilespmem:s11+$0x0]  }
0x111: {  	v0 =	vld [tilespmem:s0+$0x99B0];
	v4 =	vadd.f32 v4, v5  }
.Ltmp5:
0x112: {  	v1 =	vld [tilespmem:s0+$0x9A30];
	v5 =	vadd.f32 v3, v7;
	(pc) =	sbr.rel @p0 .LBB2_11-.Ltmp5, $4  }
0x113: {  	v7 =	vadd.f32 v8, v2;
	[tilespmem:s0+$0x16220] =	vst v4;
	v2 =	vld [tilespmem:s0+$0x9AB0]  }
0x114: {  	v3 =	vld [tilespmem:s10+$0x0];
	[tilespmem:s0+$0x162A0] =	vst v5  }
0x115: {  	[tilespmem:s0+$0x161A0] =	vst v7;
	v4 =	vld [tilespmem:s9+$0x30];
	v6 =	vadd.f32 v6, v9  }
0x116: {  	s8 =	sadd.s32 $0x800, s8;
	v5 =	vld [tilespmem:s9+$0xFFFFFFB0];
	s9 =	sadd.s32 $0x100, s9  }
0x117: {  	_ =	sdelay $0x1  }
0x118: {  	v1 =	vadd.f32 v1, v3  }
0x119: {  	[tilespmem:s0+$0x16330] =	vst v6;
	v2 =	vadd.f32 v2, v4  }
0x11a: {  	v0 =	vadd.f32 v0, v5;
	[tilespmem:s0+$0x16230] =	vst v1  }
0x11b: {  	[tilespmem:s0+$0x162B0] =	vst v2  }
0x11c: {  	[tilespmem:s0+$0x161B0] =	vst v0  }
0x11d: {  	s1 =	simm.s32 $0x16180;
	s29 =	simm.s32 $0x3;
	s0 =	rddreg [dreg:$0x5]  }
0x11e: {  	[hbm4b:s0+s2] =	stream.linear.scatter [tilespmem:s1], [sflag:$0x4], $0x6400, $0x38;
	[tilespmem:$0x1C580] =	vst v63  }
0x11f: {  	_ =	swait.ge [sflag:s29], $0x6400  }
0x120: {  	[sflag:s29] =	ssyncset.done $0x0  }
0x121: {  	[sflag:s29] =	ssyncadd.s32 $0xFFFF9C00  }
0x122: {  	_ =	swait.ge [sflag:s14], $0x6400  }
0x123: {  	s30 =	rddreg [dreg:$0x7]  }
0x124: {  	s31 =	rddreg [dreg:$0x6];
	s1 =	sadd.s32 $0x1, s30  }
0x125: {  	p0 =	sne.s32 s1, s31  }
.Ltmp6:
0x126: {  	_ = 	snop;
	(pc) =	sbr.rel @p0 .LBB2_1-.Ltmp6, $3  }
0x127: {  	_ =	sdelay $0x1  }
0x128: {  	[sflag:s14] =	ssyncset.done $0x0  }
0x129: {  	[sflag:s14] =	ssyncadd.s32 $0xFFFF9C00  }
0x12a: {  	_ =	sfence.sel $0x180000  }
0x12b: {  	[bflag:$0x0] =	sbarrier.arrive $0xFFFF  }
0x12c: {  	_ =	strace $0x90000047  }
0x12d: {  	s0 =	stileid.u32;
	[bflag:$0x2] =	sbarrier.arrive $0xFFFF  }
0x12e: {  	p0 =	sne.s32 s0, $0x0;
	s0 =	rddreg [dreg:$0x1]  }
0x12f: {  	s0 =	sadd.s32 @!p0 $0x100000, s0  }
0x130: {  	[sflag:s0] =	ssyncadd.tile.s32 @!p0 $0x1;
	_ =	shalt  }
.Lfunc_end2:
_tile_overlayer_lowered:
.L_overlay_start_2:
0x131: {  	(tag) =	ssettag $0x2  }
0x132: {  	s0 =	rddreg [dreg:$0x0];
	s2 =	stileid.u32  }
0x133: {  	s1 =	rddreg [dreg:$0x1];
	p0 =	sne.s32 s2, $0x0  }
0x134: {  	s3 =	rddreg [dreg:$0x2];
	[bflag:$0x3] =	sbarrier.arrive $0xFFFF;
	s2 =	simm.s32 @!p0 $0x1C07  }
0x135: {  	[timem:s3], [sflag:s2] =	dma.local @!p0 [hbm:s0], s1  }
0x136: {  	s0 =	simm.s32 @!p0 $0x7  }
0x137: {  	_ =	swait.ge @!p0 [sflag:s0], s1  }
0x138: {  	s1 =	ssub.s32 @!p0 $0x0, s1;
	[sflag:s0] =	ssyncset.done @!p0 $0x0  }
0x139: {  	[sflag:s0] =	ssyncadd.s32 @!p0 s1  }
0x13a: {  	[bflag:$0x3] =	sbarrier.arrive $0xFFFF  }
0x13b: {  	_ =	shalt  }

</sc_bundles>
